<compile_context>
chip_gen: v7x
topology: tpu7x:2x2x1
jax: 0.10.2.dev20260603
libtpu: 0.0.44.dev20260713+nightly
codegen_flags: <defaults>
</compile_context>

<pallas_src>
import functools

import jax
import jax.numpy as jnp
from jax import lax
from jax.experimental import pallas as pl
from jax.experimental.pallas import tpu as pltpu
from jax.experimental.pallas import tpu_sc as plsc

N = 4096
D = 64
K = 5
ROWS = 1024
NBLK = N // ROWS
NWORKERS = 32
RPW = N // NWORKERS
GPW = RPW // 16


def _topk_body(e_blk_ref, e_all_ref, idx_ref, wd2_ref):
    e_blk = e_blk_ref[...]
    e_all = e_all_ref[...]
    sq_all = jnp.sum(e_all * e_all, axis=1)
    sq_blk = jnp.sum(e_blk * e_blk, axis=1)
    bhi = e_blk.astype(jnp.bfloat16)
    blo = (e_blk - bhi.astype(jnp.float32)).astype(jnp.bfloat16)
    ahi = e_all.astype(jnp.bfloat16)
    alo = (e_all - ahi.astype(jnp.float32)).astype(jnp.bfloat16)
    dims = (((1,), (1,)), ((), ()))
    g = (lax.dot_general(bhi, ahi, dims, preferred_element_type=jnp.float32)
         + lax.dot_general(bhi, alo, dims, preferred_element_type=jnp.float32)
         + lax.dot_general(blo, ahi, dims, preferred_element_type=jnp.float32))
    maxi = jnp.int32(0x7FFFFFFF)
    lane = lax.broadcasted_iota(jnp.int32, (ROWS, 128), 1)
    m0 = jnp.full((ROWS, 128), maxi, jnp.int32)
    m1 = jnp.full((ROWS, 128), maxi, jnp.int32)
    for c in range(N // 128):
        sl = slice(c * 128, (c + 1) * 128)
        d2c = sq_blk[:, None] + sq_all[sl][None, :] - 2.0 * g[:, sl]
        v = ((lax.bitcast_convert_type(d2c, jnp.int32) & jnp.int32(~0xFFF))
             | (lane + jnp.int32(c * 128)))
        lo = jnp.minimum(m0, v)
        v = jnp.maximum(m0, v)
        m0 = lo
        m1 = jnp.minimum(m1, v)
    idx_cols = []
    wd2_cols = []
    m = jnp.min(jnp.minimum(m0, m1), axis=1)
    for t in range(K):
        a = jnp.where(m0 > m[:, None], m0, maxi)
        b = jnp.where(m1 > m[:, None], m1, maxi)
        m = jnp.min(jnp.minimum(a, b), axis=1)
        v = lax.bitcast_convert_type(m & jnp.int32(~0xFFF), jnp.float32)
        idx_cols.append((m & jnp.int32(0xFFF))[:, None])
        wd2_cols.append((jnp.exp(-0.5 * v) * v)[:, None])
    idx_ref[...] = jnp.concatenate(
        idx_cols + [jnp.zeros((ROWS, 8 - K), jnp.int32)], axis=1)
    wd2_ref[...] = jnp.concatenate(
        wd2_cols + [jnp.zeros((ROWS, 8 - K), jnp.float32)], axis=1)


def _knn_topk(embeddings):
    return pl.pallas_call(
        _topk_body,
        grid=(NBLK,),
        in_specs=[
            pl.BlockSpec((ROWS, D), lambda b: (b, 0)),
            pl.BlockSpec((N, D), lambda b: (0, 0)),
        ],
        out_specs=[
            pl.BlockSpec((ROWS, 8), lambda b: (b, 0)),
            pl.BlockSpec((ROWS, 8), lambda b: (b, 0)),
        ],
        out_shape=[
            jax.ShapeDtypeStruct((N, 8), jnp.int32),
            jax.ShapeDtypeStruct((N, 8), jnp.float32),
        ],
    )(embeddings, embeddings)


def _edge_body(idx_hbm, wd2_hbm, out_hbm, idx_v, wd2_v, acc_v):
    wid = lax.axis_index("s") * 2 + lax.axis_index("c")
    base = wid * RPW
    pltpu.sync_copy(idx_hbm, idx_v)
    pltpu.sync_copy(wd2_hbm.at[pl.ds(base * 8, RPW * 8)], wd2_v)
    lanes = lax.iota(jnp.int32, 16)

    def group(gi, acc):
        i_loc = gi * 16 + lanes
        i_glob = base + i_loc
        total = acc
        for m in range(K):
            jv = plsc.load_gather(idx_v, [i_glob * 8 + m])
            wv = plsc.load_gather(wd2_v, [i_loc * 8 + m])
            mut = jnp.zeros((16,), jnp.bool_)
            for l in range(K):
                nb = plsc.load_gather(idx_v, [jv * 8 + l])
                mut = jnp.logical_or(mut, nb == i_glob)
            total = total + wv * jnp.where(mut, jnp.float32(0.5),
                                           jnp.float32(1.0))
        return total

    acc = lax.fori_loop(0, GPW, group, jnp.zeros((16,), jnp.float32))
    acc_v[...] = acc
    pltpu.sync_copy(acc_v, out_hbm.at[pl.ds(wid * 16, 16)])


_edge_fix = functools.partial(
    pl.kernel,
    out_type=jax.ShapeDtypeStruct((NWORKERS * 16,), jnp.float32),
    mesh=plsc.VectorSubcoreMesh(core_axis_name="c", subcore_axis_name="s"),
    compiler_params=pltpu.CompilerParams(needs_layout_passes=False),
    scratch_types=[
        pltpu.VMEM((N * 8,), jnp.int32),
        pltpu.VMEM((RPW * 8,), jnp.float32),
        pltpu.VMEM((16,), jnp.float32),
    ],
)(_edge_body)


def kernel(embeddings):
    idx, wd2 = _knn_topk(embeddings)
    partials = _edge_fix(idx.reshape(N * 8), wd2.reshape(N * 8))
    return jnp.sum(partials) / jnp.float32(N * N)

# --- scband reference (transcript-rebuilt; emitter-appended) ---
"""Pipeline reference for scband-laplacian-regularization-loss-69080253989044 (READ-ONLY COPY).

The authoritative reference and input builder live on the scoring server;
editing this copy changes nothing except your own understanding.
"""

import jax, jax.numpy as jnp
import numpy as np

K_NEIGHBORS = 5
SIGMA = 1.0


def setup_inputs(seed: int = 0) -> dict:
    key = jax.random.key(seed)
    embeddings = jax.random.normal(key, (4096, 64), dtype=jnp.float32)
    return {"embeddings": embeddings}


def reference(embeddings):
    n = embeddings.shape[0]
    # torch.cdist(embeddings, embeddings, p=2) ** 2 via the Gram-matrix identity.
    # The original code only ever uses dist ** 2 (inside the Gaussian weight) and
    # the *ordering* of distances (for top-k), both of which are preserved by
    # working with squared distances directly.
    sq = jnp.sum(embeddings * embeddings, axis=1)
    d2 = sq[:, None] + sq[None, :] - 2.0 * (embeddings @ embeddings.T)
    d2 = jnp.maximum(d2, 0.0)
    # torch.topk(dists, k+1, largest=False) -> smallest k+1 squared distances
    _, idx_all = jax.lax.top_k(-d2, K_NEIGHBORS + 1)
    indices = idx_all[:, 1:]  # drop self (column 0)
    d2_sel = jnp.take_along_axis(d2, indices, axis=1)
    weights = jnp.exp(-d2_sel / (2.0 * SIGMA ** 2))
    rows = jnp.broadcast_to(jnp.arange(n)[:, None], indices.shape)
    adjacency = jnp.zeros((n, n), dtype=embeddings.dtype)
    # adjacency[i, j] = w ; adjacency[j, i] = w (symmetric writes; duplicate
    # writes carry identical values since d2 is symmetric, so scatter-set is safe)
    adjacency = adjacency.at[rows, indices].set(weights)
    adjacency = adjacency.at[indices, rows].set(weights)
    degree = jnp.sum(adjacency, axis=1)
    laplacian = jnp.diag(degree) - adjacency
    laplacian_loss = jnp.trace(embeddings.T @ (laplacian @ embeddings))
    laplacian_loss = laplacian_loss / (n ** 2)
    return laplacian_loss

if __name__ == "__main__":
    import jax
    _d = setup_inputs()
    print(jax.jit(kernel)(*tuple(_d.values())))

</pallas_src>

<mosaic_0001>
#map = affine_map<(d0, d1) -> (0)>
module attributes {stable_mosaic.version = 14 : i64} {
  func.func @_edge_body(%arg0: i32, %arg1: i32, %arg2: memref<32768xi32, #tpu.memory_space<hbm>>, %arg3: memref<32768xf32, #tpu.memory_space<hbm>>, %arg4: memref<512xf32, #tpu.memory_space<hbm>>, %arg5: memref<32768xi32, #tpu.memory_space<vmem>>, %arg6: memref<1024xf32, #tpu.memory_space<vmem>>, %arg7: memref<16xf32, #tpu.memory_space<vmem>>) attributes {dimension_semantics = [#tpu.dimension_semantics<core_parallel>, #tpu.dimension_semantics<subcore_parallel>], iteration_bounds = array<i64: 2, 16>, scalar_prefetch = 0 : i64, scratch_operands = 3 : i64, tpu.core_type = #tpu.core_type<sc_vector_subcore>, window_params = [{transform_indices = #map}, {transform_indices = #map}, {transform_indices = #map}]} {
    %mul3A = arith.constant 2 : i32
    %mul3A_0 = arith.muli %arg1, %mul3A : i32
    %add3A = arith.addi %mul3A_0, %arg0 : i32
    %mul3A_1 = arith.constant 128 : i32
    %mul3A_2 = arith.muli %add3A, %mul3A_1 : i32
    "tpu.region"() ({
      %run_scoped3A = tpu.sem_alloc : memref<!tpu.dma_semaphore, #tpu.memory_space<semaphore_mem>>
      tpu.enqueue_dma source(%arg2 : memref<32768xi32, #tpu.memory_space<hbm>>) target(%arg5 : memref<32768xi32, #tpu.memory_space<vmem>>) target_semaphore(%run_scoped3A : memref<!tpu.dma_semaphore, #tpu.memory_space<semaphore_mem>>)
      tpu.wait_dma2 semaphore(%run_scoped3A : memref<!tpu.dma_semaphore, #tpu.memory_space<semaphore_mem>>) src(%arg2 : memref<32768xi32, #tpu.memory_space<hbm>>) dst(%arg5 : memref<32768xi32, #tpu.memory_space<vmem>>)
      tpu.yield
    }) : () -> ()
    %mul3A_3 = arith.constant 8 : i32
    %mul3A_4 = arith.muli %mul3A_2, %mul3A_3 : i32
    "tpu.region"() ({
      %run_scoped3A = tpu.sem_alloc : memref<!tpu.dma_semaphore, #tpu.memory_space<semaphore_mem>>
      %dma_start3A = tpu.memref_slice %arg3[%mul3A_4] : memref<32768xf32, #tpu.memory_space<hbm>> -> memref<1024xf32, #tpu.memory_space<hbm>>
      %dma_start3A_14 = tpu.memref_slice %arg3[%mul3A_4] : memref<32768xf32, #tpu.memory_space<hbm>> -> memref<1024xf32, #tpu.memory_space<hbm>>
      tpu.enqueue_dma source(%dma_start3A_14 : memref<1024xf32, #tpu.memory_space<hbm>>) target(%arg6 : memref<1024xf32, #tpu.memory_space<vmem>>) target_semaphore(%run_scoped3A : memref<!tpu.dma_semaphore, #tpu.memory_space<semaphore_mem>>)
      %dma_wait3A = tpu.memref_slice %arg3[%mul3A_4] : memref<32768xf32, #tpu.memory_space<hbm>> -> memref<1024xf32, #tpu.memory_space<hbm>>
      %dma_wait3A_15 = tpu.memref_slice %arg3[%mul3A_4] : memref<32768xf32, #tpu.memory_space<hbm>> -> memref<1024xf32, #tpu.memory_space<hbm>>
      tpu.wait_dma2 semaphore(%run_scoped3A : memref<!tpu.dma_semaphore, #tpu.memory_space<semaphore_mem>>) src(%dma_wait3A_15 : memref<1024xf32, #tpu.memory_space<hbm>>) dst(%arg6 : memref<1024xf32, #tpu.memory_space<vmem>>)
      tpu.yield
    }) : () -> ()
    %iota3A = tpu.iota {dimensions = array<i32: 0>} : vector<16xi32>
    %broadcast_in_dim3A = arith.constant 0.000000e+00 : f32
    %broadcast_in_dim3A_5 = vector.broadcast %broadcast_in_dim3A : f32 to vector<16xf32>
    %scan3A = arith.constant 0 : i32
    %scan3A_6 = arith.constant 8 : i32
    %scan3A_7 = arith.addi %scan3A, %scan3A_6 : i32
    %scan3A_8 = arith.constant 1 : i32
    %scan3A_9 = scf.for %scan3A_14 = %scan3A to %scan3A_7 step %scan3A_8 iter_args(%scan3A_15 = %broadcast_in_dim3A_5) -> (vector<16xf32>)  : i32 {
      %mul3A_16 = arith.constant 16 : i32
      %mul3A_17 = arith.muli %scan3A_14, %mul3A_16 : i32
      %add3A_18 = vector.broadcast %mul3A_17 : i32 to vector<16xi32>
      %add3A_19 = arith.addi %add3A_18, %iota3A : vector<16xi32>
      %add3A_20 = vector.broadcast %mul3A_2 : i32 to vector<16xi32>
      %add3A_21 = arith.addi %add3A_20, %add3A_19 : vector<16xi32>
      %mul3A_22 = arith.constant 8 : i32
      %mul3A_23 = vector.broadcast %mul3A_22 : i32 to vector<16xi32>
      %mul3A_24 = arith.muli %add3A_21, %mul3A_23 : vector<16xi32>
      %add3A_25 = arith.constant 0 : i32
      %add3A_26 = vector.broadcast %add3A_25 : i32 to vector<16xi32>
      %add3A_27 = arith.addi %mul3A_24, %add3A_26 : vector<16xi32>
      %gather3A = tpu.vector_load_idx %arg5[%add3A_27] : memref<32768xi32, #tpu.memory_space<vmem>>[vector<16xi32>], vector<16xi32>,
      %mul3A_28 = arith.constant 8 : i32
      %mul3A_29 = vector.broadcast %mul3A_28 : i32 to vector<16xi32>
      %mul3A_30 = arith.muli %add3A_19, %mul3A_29 : vector<16xi32>
      %add3A_31 = arith.constant 0 : i32
      %add3A_32 = vector.broadcast %add3A_31 : i32 to vector<16xi32>
      %add3A_33 = arith.addi %mul3A_30, %add3A_32 : vector<16xi32>
      %gather3A_34 = tpu.vector_load_idx %arg6[%add3A_33] : memref<1024xf32, #tpu.memory_space<vmem>>[vector<16xi32>], vector<16xf32>,
      %broadcast_in_dim3A_35 = arith.constant false
      %broadcast_in_dim3A_36 = vector.broadcast %broadcast_in_dim3A_35 : i1 to vector<16xi1>
      %mul3A_37 = arith.constant 8 : i32
      %mul3A_38 = vector.broadcast %mul3A_37 : i32 to vector<16xi32>
      %mul3A_39 = arith.muli %gather3A, %mul3A_38 : vector<16xi32>
      %add3A_40 = arith.constant 0 : i32
      %add3A_41 = vector.broadcast %add3A_40 : i32 to vector<16xi32>
      %add3A_42 = arith.addi %mul3A_39, %add3A_41 : vector<16xi32>
      %gather3A_43 = tpu.vector_load_idx %arg5[%add3A_42] : memref<32768xi32, #tpu.memory_space<vmem>>[vector<16xi32>], vector<16xi32>,
      %eq3A = arith.cmpi eq, %gather3A_43, %add3A_21 : vector<16xi32>
      %or3A = arith.ori %broadcast_in_dim3A_36, %eq3A : vector<16xi1>
      %mul3A_44 = arith.constant 8 : i32
      %mul3A_45 = vector.broadcast %mul3A_44 : i32 to vector<16xi32>
      %mul3A_46 = arith.muli %gather3A, %mul3A_45 : vector<16xi32>
      %add3A_47 = arith.constant 1 : i32
      %add3A_48 = vector.broadcast %add3A_47 : i32 to vector<16xi32>
      %add3A_49 = arith.addi %mul3A_46, %add3A_48 : vector<16xi32>
      %gather3A_50 = tpu.vector_load_idx %arg5[%add3A_49] : memref<32768xi32, #tpu.memory_space<vmem>>[vector<16xi32>], vector<16xi32>,
      %eq3A_51 = arith.cmpi eq, %gather3A_50, %add3A_21 : vector<16xi32>
      %or3A_52 = arith.ori %or3A, %eq3A_51 : vector<16xi1>
      %mul3A_53 = arith.constant 8 : i32
      %mul3A_54 = vector.broadcast %mul3A_53 : i32 to vector<16xi32>
      %mul3A_55 = arith.muli %gather3A, %mul3A_54 : vector<16xi32>
      %add3A_56 = arith.constant 2 : i32
      %add3A_57 = vector.broadcast %add3A_56 : i32 to vector<16xi32>
      %add3A_58 = arith.addi %mul3A_55, %add3A_57 : vector<16xi32>
      %gather3A_59 = tpu.vector_load_idx %arg5[%add3A_58] : memref<32768xi32, #tpu.memory_space<vmem>>[vector<16xi32>], vector<16xi32>,
      %eq3A_60 = arith.cmpi eq, %gather3A_59, %add3A_21 : vector<16xi32>
      %or3A_61 = arith.ori %or3A_52, %eq3A_60 : vector<16xi1>
      %mul3A_62 = arith.constant 8 : i32
      %mul3A_63 = vector.broadcast %mul3A_62 : i32 to vector<16xi32>
      %mul3A_64 = arith.muli %gather3A, %mul3A_63 : vector<16xi32>
      %add3A_65 = arith.constant 3 : i32
      %add3A_66 = vector.broadcast %add3A_65 : i32 to vector<16xi32>
      %add3A_67 = arith.addi %mul3A_64, %add3A_66 : vector<16xi32>
      %gather3A_68 = tpu.vector_load_idx %arg5[%add3A_67] : memref<32768xi32, #tpu.memory_space<vmem>>[vector<16xi32>], vector<16xi32>,
      %eq3A_69 = arith.cmpi eq, %gather3A_68, %add3A_21 : vector<16xi32>
      %or3A_70 = arith.ori %or3A_61, %eq3A_69 : vector<16xi1>
      %mul3A_71 = arith.constant 8 : i32
      %mul3A_72 = vector.broadcast %mul3A_71 : i32 to vector<16xi32>
      %mul3A_73 = arith.muli %gather3A, %mul3A_72 : vector<16xi32>
      %add3A_74 = arith.constant 4 : i32
      %add3A_75 = vector.broadcast %add3A_74 : i32 to vector<16xi32>
      %add3A_76 = arith.addi %mul3A_73, %add3A_75 : vector<16xi32>
      %gather3A_77 = tpu.vector_load_idx %arg5[%add3A_76] : memref<32768xi32, #tpu.memory_space<vmem>>[vector<16xi32>], vector<16xi32>,
      %eq3A_78 = arith.cmpi eq, %gather3A_77, %add3A_21 : vector<16xi32>
      %or3A_79 = arith.ori %or3A_70, %eq3A_78 : vector<16xi1>
      %jit3A = arith.constant 5.000000e-01 : f32
      %jit3A_80 = arith.constant 1.000000e+00 : f32
      %broadcast_in_dim3A_81 = vector.broadcast %jit3A : f32 to vector<16xf32>
      %broadcast_in_dim3A_82 = vector.broadcast %jit3A_80 : f32 to vector<16xf32>
      %select_n3A = arith.select %or3A_79, %broadcast_in_dim3A_81, %broadcast_in_dim3A_82 : vector<16xi1>, vector<16xf32>
      %mul3A_83 = arith.mulf %gather3A_34, %select_n3A : vector<16xf32>
      %add3A_84 = arith.addf %scan3A_15, %mul3A_83 : vector<16xf32>
      %mul3A_85 = arith.constant 8 : i32
      %mul3A_86 = vector.broadcast %mul3A_85 : i32 to vector<16xi32>
      %mul3A_87 = arith.muli %add3A_21, %mul3A_86 : vector<16xi32>
      %add3A_88 = arith.constant 1 : i32
      %add3A_89 = vector.broadcast %add3A_88 : i32 to vector<16xi32>
      %add3A_90 = arith.addi %mul3A_87, %add3A_89 : vector<16xi32>
      %gather3A_91 = tpu.vector_load_idx %arg5[%add3A_90] : memref<32768xi32, #tpu.memory_space<vmem>>[vector<16xi32>], vector<16xi32>,
      %mul3A_92 = arith.constant 8 : i32
      %mul3A_93 = vector.broadcast %mul3A_92 : i32 to vector<16xi32>
      %mul3A_94 = arith.muli %add3A_19, %mul3A_93 : vector<16xi32>
      %add3A_95 = arith.constant 1 : i32
      %add3A_96 = vector.broadcast %add3A_95 : i32 to vector<16xi32>
      %add3A_97 = arith.addi %mul3A_94, %add3A_96 : vector<16xi32>
      %gather3A_98 = tpu.vector_load_idx %arg6[%add3A_97] : memref<1024xf32, #tpu.memory_space<vmem>>[vector<16xi32>], vector<16xf32>,
      %broadcast_in_dim3A_99 = arith.constant false
      %broadcast_in_dim3A_100 = vector.broadcast %broadcast_in_dim3A_99 : i1 to vector<16xi1>
      %mul3A_101 = arith.constant 8 : i32
      %mul3A_102 = vector.broadcast %mul3A_101 : i32 to vector<16xi32>
      %mul3A_103 = arith.muli %gather3A_91, %mul3A_102 : vector<16xi32>
      %add3A_104 = arith.constant 0 : i32
      %add3A_105 = vector.broadcast %add3A_104 : i32 to vector<16xi32>
      %add3A_106 = arith.addi %mul3A_103, %add3A_105 : vector<16xi32>
      %gather3A_107 = tpu.vector_load_idx %arg5[%add3A_106] : memref<32768xi32, #tpu.memory_space<vmem>>[vector<16xi32>], vector<16xi32>,
      %eq3A_108 = arith.cmpi eq, %gather3A_107, %add3A_21 : vector<16xi32>
      %or3A_109 = arith.ori %broadcast_in_dim3A_100, %eq3A_108 : vector<16xi1>
      %mul3A_110 = arith.constant 8 : i32
      %mul3A_111 = vector.broadcast %mul3A_110 : i32 to vector<16xi32>
      %mul3A_112 = arith.muli %gather3A_91, %mul3A_111 : vector<16xi32>
      %add3A_113 = arith.constant 1 : i32
      %add3A_114 = vector.broadcast %add3A_113 : i32 to vector<16xi32>
      %add3A_115 = arith.addi %mul3A_112, %add3A_114 : vector<16xi32>
      %gather3A_116 = tpu.vector_load_idx %arg5[%add3A_115] : memref<32768xi32, #tpu.memory_space<vmem>>[vector<16xi32>], vector<16xi32>,
      %eq3A_117 = arith.cmpi eq, %gather3A_116, %add3A_21 : vector<16xi32>
      %or3A_118 = arith.ori %or3A_109, %eq3A_117 : vector<16xi1>
      %mul3A_119 = arith.constant 8 : i32
      %mul3A_120 = vector.broadcast %mul3A_119 : i32 to vector<16xi32>
      %mul3A_121 = arith.muli %gather3A_91, %mul3A_120 : vector<16xi32>
      %add3A_122 = arith.constant 2 : i32
      %add3A_123 = vector.broadcast %add3A_122 : i32 to vector<16xi32>
      %add3A_124 = arith.addi %mul3A_121, %add3A_123 : vector<16xi32>
      %gather3A_125 = tpu.vector_load_idx %arg5[%add3A_124] : memref<32768xi32, #tpu.memory_space<vmem>>[vector<16xi32>], vector<16xi32>,
      %eq3A_126 = arith.cmpi eq, %gather3A_125, %add3A_21 : vector<16xi32>
      %or3A_127 = arith.ori %or3A_118, %eq3A_126 : vector<16xi1>
      %mul3A_128 = arith.constant 8 : i32
      %mul3A_129 = vector.broadcast %mul3A_128 : i32 to vector<16xi32>
      %mul3A_130 = arith.muli %gather3A_91, %mul3A_129 : vector<16xi32>
      %add3A_131 = arith.constant 3 : i32
      %add3A_132 = vector.broadcast %add3A_131 : i32 to vector<16xi32>
      %add3A_133 = arith.addi %mul3A_130, %add3A_132 : vector<16xi32>
      %gather3A_134 = tpu.vector_load_idx %arg5[%add3A_133] : memref<32768xi32, #tpu.memory_space<vmem>>[vector<16xi32>], vector<16xi32>,
      %eq3A_135 = arith.cmpi eq, %gather3A_134, %add3A_21 : vector<16xi32>
      %or3A_136 = arith.ori %or3A_127, %eq3A_135 : vector<16xi1>
      %mul3A_137 = arith.constant 8 : i32
      %mul3A_138 = vector.broadcast %mul3A_137 : i32 to vector<16xi32>
      %mul3A_139 = arith.muli %gather3A_91, %mul3A_138 : vector<16xi32>
      %add3A_140 = arith.constant 4 : i32
      %add3A_141 = vector.broadcast %add3A_140 : i32 to vector<16xi32>
      %add3A_142 = arith.addi %mul3A_139, %add3A_141 : vector<16xi32>
      %gather3A_143 = tpu.vector_load_idx %arg5[%add3A_142] : memref<32768xi32, #tpu.memory_space<vmem>>[vector<16xi32>], vector<16xi32>,
      %eq3A_144 = arith.cmpi eq, %gather3A_143, %add3A_21 : vector<16xi32>
      %or3A_145 = arith.ori %or3A_136, %eq3A_144 : vector<16xi1>
      %jit3A_146 = arith.constant 5.000000e-01 : f32
      %jit3A_147 = arith.constant 1.000000e+00 : f32
      %broadcast_in_dim3A_148 = vector.broadcast %jit3A_146 : f32 to vector<16xf32>
      %broadcast_in_dim3A_149 = vector.broadcast %jit3A_147 : f32 to vector<16xf32>
      %select_n3A_150 = arith.select %or3A_145, %broadcast_in_dim3A_148, %broadcast_in_dim3A_149 : vector<16xi1>, vector<16xf32>
      %mul3A_151 = arith.mulf %gather3A_98, %select_n3A_150 : vector<16xf32>
      %add3A_152 = arith.addf %add3A_84, %mul3A_151 : vector<16xf32>
      %mul3A_153 = arith.constant 8 : i32
      %mul3A_154 = vector.broadcast %mul3A_153 : i32 to vector<16xi32>
      %mul3A_155 = arith.muli %add3A_21, %mul3A_154 : vector<16xi32>
      %add3A_156 = arith.constant 2 : i32
      %add3A_157 = vector.broadcast %add3A_156 : i32 to vector<16xi32>
      %add3A_158 = arith.addi %mul3A_155, %add3A_157 : vector<16xi32>
      %gather3A_159 = tpu.vector_load_idx %arg5[%add3A_158] : memref<32768xi32, #tpu.memory_space<vmem>>[vector<16xi32>], vector<16xi32>,
      %mul3A_160 = arith.constant 8 : i32
      %mul3A_161 = vector.broadcast %mul3A_160 : i32 to vector<16xi32>
      %mul3A_162 = arith.muli %add3A_19, %mul3A_161 : vector<16xi32>
      %add3A_163 = arith.constant 2 : i32
      %add3A_164 = vector.broadcast %add3A_163 : i32 to vector<16xi32>
      %add3A_165 = arith.addi %mul3A_162, %add3A_164 : vector<16xi32>
      %gather3A_166 = tpu.vector_load_idx %arg6[%add3A_165] : memref<1024xf32, #tpu.memory_space<vmem>>[vector<16xi32>], vector<16xf32>,
      %broadcast_in_dim3A_167 = arith.constant false
      %broadcast_in_dim3A_168 = vector.broadcast %broadcast_in_dim3A_167 : i1 to vector<16xi1>
      %mul3A_169 = arith.constant 8 : i32
      %mul3A_170 = vector.broadcast %mul3A_169 : i32 to vector<16xi32>
      %mul3A_171 = arith.muli %gather3A_159, %mul3A_170 : vector<16xi32>
      %add3A_172 = arith.constant 0 : i32
      %add3A_173 = vector.broadcast %add3A_172 : i32 to vector<16xi32>
      %add3A_174 = arith.addi %mul3A_171, %add3A_173 : vector<16xi32>
      %gather3A_175 = tpu.vector_load_idx %arg5[%add3A_174] : memref<32768xi32, #tpu.memory_space<vmem>>[vector<16xi32>], vector<16xi32>,
      %eq3A_176 = arith.cmpi eq, %gather3A_175, %add3A_21 : vector<16xi32>
      %or3A_177 = arith.ori %broadcast_in_dim3A_168, %eq3A_176 : vector<16xi1>
      %mul3A_178 = arith.constant 8 : i32
      %mul3A_179 = vector.broadcast %mul3A_178 : i32 to vector<16xi32>
      %mul3A_180 = arith.muli %gather3A_159, %mul3A_179 : vector<16xi32>
      %add3A_181 = arith.constant 1 : i32
      %add3A_182 = vector.broadcast %add3A_181 : i32 to vector<16xi32>
      %add3A_183 = arith.addi %mul3A_180, %add3A_182 : vector<16xi32>
      %gather3A_184 = tpu.vector_load_idx %arg5[%add3A_183] : memref<32768xi32, #tpu.memory_space<vmem>>[vector<16xi32>], vector<16xi32>,
      %eq3A_185 = arith.cmpi eq, %gather3A_184, %add3A_21 : vector<16xi32>
      %or3A_186 = arith.ori %or3A_177, %eq3A_185 : vector<16xi1>
      %mul3A_187 = arith.constant 8 : i32
      %mul3A_188 = vector.broadcast %mul3A_187 : i32 to vector<16xi32>
      %mul3A_189 = arith.muli %gather3A_159, %mul3A_188 : vector<16xi32>
      %add3A_190 = arith.constant 2 : i32
      %add3A_191 = vector.broadcast %add3A_190 : i32 to vector<16xi32>
      %add3A_192 = arith.addi %mul3A_189, %add3A_191 : vector<16xi32>
      %gather3A_193 = tpu.vector_load_idx %arg5[%add3A_192] : memref<32768xi32, #tpu.memory_space<vmem>>[vector<16xi32>], vector<16xi32>,
      %eq3A_194 = arith.cmpi eq, %gather3A_193, %add3A_21 : vector<16xi32>
      %or3A_195 = arith.ori %or3A_186, %eq3A_194 : vector<16xi1>
      %mul3A_196 = arith.constant 8 : i32
      %mul3A_197 = vector.broadcast %mul3A_196 : i32 to vector<16xi32>
      %mul3A_198 = arith.muli %gather3A_159, %mul3A_197 : vector<16xi32>
      %add3A_199 = arith.constant 3 : i32
      %add3A_200 = vector.broadcast %add3A_199 : i32 to vector<16xi32>
      %add3A_201 = arith.addi %mul3A_198, %add3A_200 : vector<16xi32>
      %gather3A_202 = tpu.vector_load_idx %arg5[%add3A_201] : memref<32768xi32, #tpu.memory_space<vmem>>[vector<16xi32>], vector<16xi32>,
      %eq3A_203 = arith.cmpi eq, %gather3A_202, %add3A_21 : vector<16xi32>
      %or3A_204 = arith.ori %or3A_195, %eq3A_203 : vector<16xi1>
      %mul3A_205 = arith.constant 8 : i32
      %mul3A_206 = vector.broadcast %mul3A_205 : i32 to vector<16xi32>
      %mul3A_207 = arith.muli %gather3A_159, %mul3A_206 : vector<16xi32>
      %add3A_208 = arith.constant 4 : i32
      %add3A_209 = vector.broadcast %add3A_208 : i32 to vector<16xi32>
      %add3A_210 = arith.addi %mul3A_207, %add3A_209 : vector<16xi32>
      %gather3A_211 = tpu.vector_load_idx %arg5[%add3A_210] : memref<32768xi32, #tpu.memory_space<vmem>>[vector<16xi32>], vector<16xi32>,
      %eq3A_212 = arith.cmpi eq, %gather3A_211, %add3A_21 : vector<16xi32>
      %or3A_213 = arith.ori %or3A_204, %eq3A_212 : vector<16xi1>
      %jit3A_214 = arith.constant 5.000000e-01 : f32
      %jit3A_215 = arith.constant 1.000000e+00 : f32
      %broadcast_in_dim3A_216 = vector.broadcast %jit3A_214 : f32 to vector<16xf32>
      %broadcast_in_dim3A_217 = vector.broadcast %jit3A_215 : f32 to vector<16xf32>
      %select_n3A_218 = arith.select %or3A_213, %broadcast_in_dim3A_216, %broadcast_in_dim3A_217 : vector<16xi1>, vector<16xf32>
      %mul3A_219 = arith.mulf %gather3A_166, %select_n3A_218 : vector<16xf32>
      %add3A_220 = arith.addf %add3A_152, %mul3A_219 : vector<16xf32>
      %mul3A_221 = arith.constant 8 : i32
      %mul3A_222 = vector.broadcast %mul3A_221 : i32 to vector<16xi32>
      %mul3A_223 = arith.muli %add3A_21, %mul3A_222 : vector<16xi32>
      %add3A_224 = arith.constant 3 : i32
      %add3A_225 = vector.broadcast %add3A_224 : i32 to vector<16xi32>
      %add3A_226 = arith.addi %mul3A_223, %add3A_225 : vector<16xi32>
      %gather3A_227 = tpu.vector_load_idx %arg5[%add3A_226] : memref<32768xi32, #tpu.memory_space<vmem>>[vector<16xi32>], vector<16xi32>,
      %mul3A_228 = arith.constant 8 : i32
      %mul3A_229 = vector.broadcast %mul3A_228 : i32 to vector<16xi32>
      %mul3A_230 = arith.muli %add3A_19, %mul3A_229 : vector<16xi32>
      %add3A_231 = arith.constant 3 : i32
      %add3A_232 = vector.broadcast %add3A_231 : i32 to vector<16xi32>
      %add3A_233 = arith.addi %mul3A_230, %add3A_232 : vector<16xi32>
      %gather3A_234 = tpu.vector_load_idx %arg6[%add3A_233] : memref<1024xf32, #tpu.memory_space<vmem>>[vector<16xi32>], vector<16xf32>,
      %broadcast_in_dim3A_235 = arith.constant false
      %broadcast_in_dim3A_236 = vector.broadcast %broadcast_in_dim3A_235 : i1 to vector<16xi1>
      %mul3A_237 = arith.constant 8 : i32
      %mul3A_238 = vector.broadcast %mul3A_237 : i32 to vector<16xi32>
      %mul3A_239 = arith.muli %gather3A_227, %mul3A_238 : vector<16xi32>
      %add3A_240 = arith.constant 0 : i32
      %add3A_241 = vector.broadcast %add3A_240 : i32 to vector<16xi32>
      %add3A_242 = arith.addi %mul3A_239, %add3A_241 : vector<16xi32>
      %gather3A_243 = tpu.vector_load_idx %arg5[%add3A_242] : memref<32768xi32, #tpu.memory_space<vmem>>[vector<16xi32>], vector<16xi32>,
      %eq3A_244 = arith.cmpi eq, %gather3A_243, %add3A_21 : vector<16xi32>
      %or3A_245 = arith.ori %broadcast_in_dim3A_236, %eq3A_244 : vector<16xi1>
      %mul3A_246 = arith.constant 8 : i32
      %mul3A_247 = vector.broadcast %mul3A_246 : i32 to vector<16xi32>
      %mul3A_248 = arith.muli %gather3A_227, %mul3A_247 : vector<16xi32>
      %add3A_249 = arith.constant 1 : i32
      %add3A_250 = vector.broadcast %add3A_249 : i32 to vector<16xi32>
      %add3A_251 = arith.addi %mul3A_248, %add3A_250 : vector<16xi32>
      %gather3A_252 = tpu.vector_load_idx %arg5[%add3A_251] : memref<32768xi32, #tpu.memory_space<vmem>>[vector<16xi32>], vector<16xi32>,
      %eq3A_253 = arith.cmpi eq, %gather3A_252, %add3A_21 : vector<16xi32>
      %or3A_254 = arith.ori %or3A_245, %eq3A_253 : vector<16xi1>
      %mul3A_255 = arith.constant 8 : i32
      %mul3A_256 = vector.broadcast %mul3A_255 : i32 to vector<16xi32>
      %mul3A_257 = arith.muli %gather3A_227, %mul3A_256 : vector<16xi32>
      %add3A_258 = arith.constant 2 : i32
      %add3A_259 = vector.broadcast %add3A_258 : i32 to vector<16xi32>
      %add3A_260 = arith.addi %mul3A_257, %add3A_259 : vector<16xi32>
      %gather3A_261 = tpu.vector_load_idx %arg5[%add3A_260] : memref<32768xi32, #tpu.memory_space<vmem>>[vector<16xi32>], vector<16xi32>,
      %eq3A_262 = arith.cmpi eq, %gather3A_261, %add3A_21 : vector<16xi32>
      %or3A_263 = arith.ori %or3A_254, %eq3A_262 : vector<16xi1>
      %mul3A_264 = arith.constant 8 : i32
      %mul3A_265 = vector.broadcast %mul3A_264 : i32 to vector<16xi32>
      %mul3A_266 = arith.muli %gather3A_227, %mul3A_265 : vector<16xi32>
      %add3A_267 = arith.constant 3 : i32
      %add3A_268 = vector.broadcast %add3A_267 : i32 to vector<16xi32>
      %add3A_269 = arith.addi %mul3A_266, %add3A_268 : vector<16xi32>
      %gather3A_270 = tpu.vector_load_idx %arg5[%add3A_269] : memref<32768xi32, #tpu.memory_space<vmem>>[vector<16xi32>], vector<16xi32>,
      %eq3A_271 = arith.cmpi eq, %gather3A_270, %add3A_21 : vector<16xi32>
      %or3A_272 = arith.ori %or3A_263, %eq3A_271 : vector<16xi1>
      %mul3A_273 = arith.constant 8 : i32
      %mul3A_274 = vector.broadcast %mul3A_273 : i32 to vector<16xi32>
      %mul3A_275 = arith.muli %gather3A_227, %mul3A_274 : vector<16xi32>
      %add3A_276 = arith.constant 4 : i32
      %add3A_277 = vector.broadcast %add3A_276 : i32 to vector<16xi32>
      %add3A_278 = arith.addi %mul3A_275, %add3A_277 : vector<16xi32>
      %gather3A_279 = tpu.vector_load_idx %arg5[%add3A_278] : memref<32768xi32, #tpu.memory_space<vmem>>[vector<16xi32>], vector<16xi32>,
      %eq3A_280 = arith.cmpi eq, %gather3A_279, %add3A_21 : vector<16xi32>
      %or3A_281 = arith.ori %or3A_272, %eq3A_280 : vector<16xi1>
      %jit3A_282 = arith.constant 5.000000e-01 : f32
      %jit3A_283 = arith.constant 1.000000e+00 : f32
      %broadcast_in_dim3A_284 = vector.broadcast %jit3A_282 : f32 to vector<16xf32>
      %broadcast_in_dim3A_285 = vector.broadcast %jit3A_283 : f32 to vector<16xf32>
      %select_n3A_286 = arith.select %or3A_281, %broadcast_in_dim3A_284, %broadcast_in_dim3A_285 : vector<16xi1>, vector<16xf32>
      %mul3A_287 = arith.mulf %gather3A_234, %select_n3A_286 : vector<16xf32>
      %add3A_288 = arith.addf %add3A_220, %mul3A_287 : vector<16xf32>
      %mul3A_289 = arith.constant 8 : i32
      %mul3A_290 = vector.broadcast %mul3A_289 : i32 to vector<16xi32>
      %mul3A_291 = arith.muli %add3A_21, %mul3A_290 : vector<16xi32>
      %add3A_292 = arith.constant 4 : i32
      %add3A_293 = vector.broadcast %add3A_292 : i32 to vector<16xi32>
      %add3A_294 = arith.addi %mul3A_291, %add3A_293 : vector<16xi32>
      %gather3A_295 = tpu.vector_load_idx %arg5[%add3A_294] : memref<32768xi32, #tpu.memory_space<vmem>>[vector<16xi32>], vector<16xi32>,
      %mul3A_296 = arith.constant 8 : i32
      %mul3A_297 = vector.broadcast %mul3A_296 : i32 to vector<16xi32>
      %mul3A_298 = arith.muli %add3A_19, %mul3A_297 : vector<16xi32>
      %add3A_299 = arith.constant 4 : i32
      %add3A_300 = vector.broadcast %add3A_299 : i32 to vector<16xi32>
      %add3A_301 = arith.addi %mul3A_298, %add3A_300 : vector<16xi32>
      %gather3A_302 = tpu.vector_load_idx %arg6[%add3A_301] : memref<1024xf32, #tpu.memory_space<vmem>>[vector<16xi32>], vector<16xf32>,
      %broadcast_in_dim3A_303 = arith.constant false
      %broadcast_in_dim3A_304 = vector.broadcast %broadcast_in_dim3A_303 : i1 to vector<16xi1>
      %mul3A_305 = arith.constant 8 : i32
      %mul3A_306 = vector.broadcast %mul3A_305 : i32 to vector<16xi32>
      %mul3A_307 = arith.muli %gather3A_295, %mul3A_306 : vector<16xi32>
      %add3A_308 = arith.constant 0 : i32
      %add3A_309 = vector.broadcast %add3A_308 : i32 to vector<16xi32>
      %add3A_310 = arith.addi %mul3A_307, %add3A_309 : vector<16xi32>
      %gather3A_311 = tpu.vector_load_idx %arg5[%add3A_310] : memref<32768xi32, #tpu.memory_space<vmem>>[vector<16xi32>], vector<16xi32>,
      %eq3A_312 = arith.cmpi eq, %gather3A_311, %add3A_21 : vector<16xi32>
      %or3A_313 = arith.ori %broadcast_in_dim3A_304, %eq3A_312 : vector<16xi1>
      %mul3A_314 = arith.constant 8 : i32
      %mul3A_315 = vector.broadcast %mul3A_314 : i32 to vector<16xi32>
      %mul3A_316 = arith.muli %gather3A_295, %mul3A_315 : vector<16xi32>
      %add3A_317 = arith.constant 1 : i32
      %add3A_318 = vector.broadcast %add3A_317 : i32 to vector<16xi32>
      %add3A_319 = arith.addi %mul3A_316, %add3A_318 : vector<16xi32>
      %gather3A_320 = tpu.vector_load_idx %arg5[%add3A_319] : memref<32768xi32, #tpu.memory_space<vmem>>[vector<16xi32>], vector<16xi32>,
      %eq3A_321 = arith.cmpi eq, %gather3A_320, %add3A_21 : vector<16xi32>
      %or3A_322 = arith.ori %or3A_313, %eq3A_321 : vector<16xi1>
      %mul3A_323 = arith.constant 8 : i32
      %mul3A_324 = vector.broadcast %mul3A_323 : i32 to vector<16xi32>
      %mul3A_325 = arith.muli %gather3A_295, %mul3A_324 : vector<16xi32>
      %add3A_326 = arith.constant 2 : i32
      %add3A_327 = vector.broadcast %add3A_326 : i32 to vector<16xi32>
      %add3A_328 = arith.addi %mul3A_325, %add3A_327 : vector<16xi32>
      %gather3A_329 = tpu.vector_load_idx %arg5[%add3A_328] : memref<32768xi32, #tpu.memory_space<vmem>>[vector<16xi32>], vector<16xi32>,
      %eq3A_330 = arith.cmpi eq, %gather3A_329, %add3A_21 : vector<16xi32>
      %or3A_331 = arith.ori %or3A_322, %eq3A_330 : vector<16xi1>
      %mul3A_332 = arith.constant 8 : i32
      %mul3A_333 = vector.broadcast %mul3A_332 : i32 to vector<16xi32>
      %mul3A_334 = arith.muli %gather3A_295, %mul3A_333 : vector<16xi32>
      %add3A_335 = arith.constant 3 : i32
      %add3A_336 = vector.broadcast %add3A_335 : i32 to vector<16xi32>
      %add3A_337 = arith.addi %mul3A_334, %add3A_336 : vector<16xi32>
      %gather3A_338 = tpu.vector_load_idx %arg5[%add3A_337] : memref<32768xi32, #tpu.memory_space<vmem>>[vector<16xi32>], vector<16xi32>,
      %eq3A_339 = arith.cmpi eq, %gather3A_338, %add3A_21 : vector<16xi32>
      %or3A_340 = arith.ori %or3A_331, %eq3A_339 : vector<16xi1>
      %mul3A_341 = arith.constant 8 : i32
      %mul3A_342 = vector.broadcast %mul3A_341 : i32 to vector<16xi32>
      %mul3A_343 = arith.muli %gather3A_295, %mul3A_342 : vector<16xi32>
      %add3A_344 = arith.constant 4 : i32
      %add3A_345 = vector.broadcast %add3A_344 : i32 to vector<16xi32>
      %add3A_346 = arith.addi %mul3A_343, %add3A_345 : vector<16xi32>
      %gather3A_347 = tpu.vector_load_idx %arg5[%add3A_346] : memref<32768xi32, #tpu.memory_space<vmem>>[vector<16xi32>], vector<16xi32>,
      %eq3A_348 = arith.cmpi eq, %gather3A_347, %add3A_21 : vector<16xi32>
      %or3A_349 = arith.ori %or3A_340, %eq3A_348 : vector<16xi1>
      %jit3A_350 = arith.constant 5.000000e-01 : f32
      %jit3A_351 = arith.constant 1.000000e+00 : f32
      %broadcast_in_dim3A_352 = vector.broadcast %jit3A_350 : f32 to vector<16xf32>
      %broadcast_in_dim3A_353 = vector.broadcast %jit3A_351 : f32 to vector<16xf32>
      %select_n3A_354 = arith.select %or3A_349, %broadcast_in_dim3A_352, %broadcast_in_dim3A_353 : vector<16xi1>, vector<16xf32>
      %mul3A_355 = arith.mulf %gather3A_302, %select_n3A_354 : vector<16xf32>
      %add3A_356 = arith.addf %add3A_288, %mul3A_355 : vector<16xf32>
      scf.yield %add3A_356 : vector<16xf32>
    }
    %scan3A_10 = arith.constant 8 : i32
    %swap3A = arith.constant 0 : index
    %swap3A_11 = tpu.vector_load %arg7[%swap3A] {strides = array<i32>} : memref<16xf32, #tpu.memory_space<vmem>>, vector<16xf32>,
    tpu.vector_store %arg7[%swap3A], %scan3A_9 {strides = array<i32>} : memref<16xf32, #tpu.memory_space<vmem>>, vector<16xf32>,
    %mul3A_12 = arith.constant 16 : i32
    %mul3A_13 = arith.muli %add3A, %mul3A_12 : i32
    "tpu.region"() ({
      %run_scoped3A = tpu.sem_alloc : memref<!tpu.dma_semaphore, #tpu.memory_space<semaphore_mem>>
      %dma_start3A = tpu.memref_slice %arg4[%mul3A_13] : memref<512xf32, #tpu.memory_space<hbm>> -> memref<16xf32, #tpu.memory_space<hbm>>
      %dma_start3A_14 = tpu.memref_slice %arg4[%mul3A_13] : memref<512xf32, #tpu.memory_space<hbm>> -> memref<16xf32, #tpu.memory_space<hbm>>
      tpu.enqueue_dma source(%arg7 : memref<16xf32, #tpu.memory_space<vmem>>) target(%dma_start3A_14 : memref<16xf32, #tpu.memory_space<hbm>>) target_semaphore(%run_scoped3A : memref<!tpu.dma_semaphore, #tpu.memory_space<semaphore_mem>>)
      %dma_wait3A = tpu.memref_slice %arg4[%mul3A_13] : memref<512xf32, #tpu.memory_space<hbm>> -> memref<16xf32, #tpu.memory_space<hbm>>
      %dma_wait3A_15 = tpu.memref_slice %arg4[%mul3A_13] : memref<512xf32, #tpu.memory_space<hbm>> -> memref<16xf32, #tpu.memory_space<hbm>>
      tpu.wait_dma2 semaphore(%run_scoped3A : memref<!tpu.dma_semaphore, #tpu.memory_space<semaphore_mem>>) src(%arg7 : memref<16xf32, #tpu.memory_space<vmem>>) dst(%dma_wait3A_15 : memref<16xf32, #tpu.memory_space<hbm>>)
      tpu.yield
    }) : () -> ()
    return
  }
}

module attributes {stable_mosaic.version = 14 : i64} {
  func.func @_topk_body(%arg0: i32, %arg1: memref<1024x64xf32, #tpu.memory_space<vmem>>, %arg2: memref<4096x64xf32, #tpu.memory_space<vmem>>, %arg3: memref<1024x8xi32, #tpu.memory_space<vmem>>, %arg4: memref<1024x8xf32, #tpu.memory_space<vmem>>) attributes {dimension_semantics = [#tpu.dimension_semantics<arbitrary>], iteration_bounds = array<i64: 4>, scalar_prefetch = 0 : i64, scratch_operands = 0 : i64, tpu.core_type = #tpu.core_type<tc>, window_params = [{transform_indices = @transform_0, window_bounds = array<i64: 1024, 64>}, {pipeline_mode = #tpu.pipeline_mode<synchronous>, transform_indices = @transform_1, window_bounds = array<i64: 4096, 64>}, {transform_indices = @transform_2, window_bounds = array<i64: 1024, 8>}, {transform_indices = @transform_3, window_bounds = array<i64: 1024, 8>}]} {
    %get3A = arith.constant 0 : index
    %get3A_0 = arith.constant 0 : index
    %get3A_1 = vector.load %arg1[%get3A, %get3A_0] : memref<1024x64xf32, #tpu.memory_space<vmem>>, vector<1024x64xf32>
    %get3A_2 = arith.constant 0 : index
    %get3A_3 = arith.constant 0 : index
    %get3A_4 = vector.load %arg2[%get3A_2, %get3A_3] : memref<4096x64xf32, #tpu.memory_space<vmem>>, vector<4096x64xf32>
    %mul3A = arith.mulf %get3A_4, %get3A_4 : vector<4096x64xf32>
    %reduce_sum3A = arith.constant dense<0.000000e+00> : vector<4096xf32>
    %reduce_sum3A_5 = vector.multi_reduction <add>, %mul3A, %reduce_sum3A [1] : vector<4096x64xf32> to vector<4096xf32>
    %mul3A_6 = arith.mulf %get3A_1, %get3A_1 : vector<1024x64xf32>
    %reduce_sum3A_7 = arith.constant dense<0.000000e+00> : vector<1024xf32>
    %reduce_sum3A_8 = vector.multi_reduction <add>, %mul3A_6, %reduce_sum3A_7 [1] : vector<1024x64xf32> to vector<1024xf32>
    %convert_element_type3A = arith.truncf %get3A_1 : vector<1024x64xf32> to vector<1024x64xbf16>
    %convert_element_type3A_9 = arith.extf %convert_element_type3A : vector<1024x64xbf16> to vector<1024x64xf32>
    %sub3A = arith.subf %get3A_1, %convert_element_type3A_9 : vector<1024x64xf32>
    %convert_element_type3A_10 = arith.truncf %sub3A : vector<1024x64xf32> to vector<1024x64xbf16>
    %convert_element_type3A_11 = arith.truncf %get3A_4 : vector<4096x64xf32> to vector<4096x64xbf16>
    %convert_element_type3A_12 = arith.extf %convert_element_type3A_11 : vector<4096x64xbf16> to vector<4096x64xf32>
    %sub3A_13 = arith.subf %get3A_4, %convert_element_type3A_12 : vector<4096x64xf32>
    %convert_element_type3A_14 = arith.truncf %sub3A_13 : vector<4096x64xf32> to vector<4096x64xbf16>
    %dot_general3A = arith.constant dense<0.000000e+00> : vector<1024x4096xf32>
    %dot_general3A_15 = tpu.matmul %convert_element_type3A, %convert_element_type3A_11, %dot_general3A {dimension_numbers = #tpu.dot_dimension_numbers<[1], [1], [0], [0], [0, 0, 1, 0], [], []>, transpose_lhs_hint = false} : vector<1024x64xbf16>, vector<4096x64xbf16>, vector<1024x4096xf32> -> vector<1024x4096xf32>
    %dot_general3A_16 = arith.constant dense<0.000000e+00> : vector<1024x4096xf32>
    %dot_general3A_17 = tpu.matmul %convert_element_type3A, %convert_element_type3A_14, %dot_general3A_16 {dimension_numbers = #tpu.dot_dimension_numbers<[1], [1], [0], [0], [0, 0, 1, 0], [], []>, transpose_lhs_hint = false} : vector<1024x64xbf16>, vector<4096x64xbf16>, vector<1024x4096xf32> -> vector<1024x4096xf32>
    %add3A = arith.addf %dot_general3A_15, %dot_general3A_17 : vector<1024x4096xf32>
    %dot_general3A_18 = arith.constant dense<0.000000e+00> : vector<1024x4096xf32>
    %dot_general3A_19 = tpu.matmul %convert_element_type3A_10, %convert_element_type3A_11, %dot_general3A_18 {dimension_numbers = #tpu.dot_dimension_numbers<[1], [1], [0], [0], [0, 0, 1, 0], [], []>, transpose_lhs_hint = false} : vector<1024x64xbf16>, vector<4096x64xbf16>, vector<1024x4096xf32> -> vector<1024x4096xf32>
    %add3A_20 = arith.addf %add3A, %dot_general3A_19 : vector<1024x4096xf32>
    %iota3A = tpu.iota {dimensions = array<i32: 1>} : vector<1024x128xi32>
    %broadcast_in_dim3A = arith.constant 2147483647 : i32
    %broadcast_in_dim3A_21 = vector.broadcast %broadcast_in_dim3A : i32 to vector<1024x128xi32>
    %broadcast_in_dim3A_22 = arith.constant 2147483647 : i32
    %broadcast_in_dim3A_23 = vector.broadcast %broadcast_in_dim3A_22 : i32 to vector<1024x128xi32>
    %broadcast_in_dim3A_24 = vector.shape_cast %reduce_sum3A_8 : vector<1024xf32> to vector<1024x1xf32>
    %slice3A = vector.extract_strided_slice %reduce_sum3A_5 {offsets = [0], sizes = [128], strides = [1]} : vector<4096xf32> to vector<128xf32>
    %broadcast_in_dim3A_25 = vector.shape_cast %slice3A : vector<128xf32> to vector<1x128xf32>
    %add3A_26 = vector.broadcast %broadcast_in_dim3A_24 : vector<1024x1xf32> to vector<1024x128xf32>
    %add3A_27 = vector.broadcast %broadcast_in_dim3A_25 : vector<1x128xf32> to vector<1024x128xf32>
    %add3A_28 = arith.addf %add3A_26, %add3A_27 : vector<1024x128xf32>
    %slice3A_29 = vector.extract_strided_slice %add3A_20 {offsets = [0, 0], sizes = [1024, 128], strides = [1, 1]} : vector<1024x4096xf32> to vector<1024x128xf32>
    %mul3A_30 = arith.constant 2.000000e+00 : f32
    %mul3A_31 = vector.broadcast %mul3A_30 : f32 to vector<1024x128xf32>
    %mul3A_32 = arith.mulf %mul3A_31, %slice3A_29 : vector<1024x128xf32>
    %sub3A_33 = arith.subf %add3A_28, %mul3A_32 : vector<1024x128xf32>
    %bitcast_convert_type3A = tpu.bitcast %sub3A_33 : vector<1024x128xf32> -> vector<1024x128xi32>
    %and3A = arith.constant -4096 : i32
    %and3A_34 = vector.broadcast %and3A : i32 to vector<1024x128xi32>
    %and3A_35 = arith.andi %bitcast_convert_type3A, %and3A_34 : vector<1024x128xi32>
    %add3A_36 = arith.constant 0 : i32
    %add3A_37 = vector.broadcast %add3A_36 : i32 to vector<1024x128xi32>
    %add3A_38 = arith.addi %iota3A, %add3A_37 : vector<1024x128xi32>
    %or3A = arith.ori %and3A_35, %add3A_38 : vector<1024x128xi32>
    %min3A = arith.minsi %broadcast_in_dim3A_21, %or3A : vector<1024x128xi32>
    %max3A = arith.maxsi %broadcast_in_dim3A_21, %or3A : vector<1024x128xi32>
    %min3A_39 = arith.minsi %broadcast_in_dim3A_23, %max3A : vector<1024x128xi32>
    %broadcast_in_dim3A_40 = vector.shape_cast %reduce_sum3A_8 : vector<1024xf32> to vector<1024x1xf32>
    %slice3A_41 = vector.extract_strided_slice %reduce_sum3A_5 {offsets = [128], sizes = [128], strides = [1]} : vector<4096xf32> to vector<128xf32>
    %broadcast_in_dim3A_42 = vector.shape_cast %slice3A_41 : vector<128xf32> to vector<1x128xf32>
    %add3A_43 = vector.broadcast %broadcast_in_dim3A_40 : vector<1024x1xf32> to vector<1024x128xf32>
    %add3A_44 = vector.broadcast %broadcast_in_dim3A_42 : vector<1x128xf32> to vector<1024x128xf32>
    %add3A_45 = arith.addf %add3A_43, %add3A_44 : vector<1024x128xf32>
    %slice3A_46 = vector.extract_strided_slice %add3A_20 {offsets = [0, 128], sizes = [1024, 128], strides = [1, 1]} : vector<1024x4096xf32> to vector<1024x128xf32>
    %mul3A_47 = arith.constant 2.000000e+00 : f32
    %mul3A_48 = vector.broadcast %mul3A_47 : f32 to vector<1024x128xf32>
    %mul3A_49 = arith.mulf %mul3A_48, %slice3A_46 : vector<1024x128xf32>
    %sub3A_50 = arith.subf %add3A_45, %mul3A_49 : vector<1024x128xf32>
    %bitcast_convert_type3A_51 = tpu.bitcast %sub3A_50 : vector<1024x128xf32> -> vector<1024x128xi32>
    %and3A_52 = arith.constant -4096 : i32
    %and3A_53 = vector.broadcast %and3A_52 : i32 to vector<1024x128xi32>
    %and3A_54 = arith.andi %bitcast_convert_type3A_51, %and3A_53 : vector<1024x128xi32>
    %add3A_55 = arith.constant 128 : i32
    %add3A_56 = vector.broadcast %add3A_55 : i32 to vector<1024x128xi32>
    %add3A_57 = arith.addi %iota3A, %add3A_56 : vector<1024x128xi32>
    %or3A_58 = arith.ori %and3A_54, %add3A_57 : vector<1024x128xi32>
    %min3A_59 = arith.minsi %min3A, %or3A_58 : vector<1024x128xi32>
    %max3A_60 = arith.maxsi %min3A, %or3A_58 : vector<1024x128xi32>
    %min3A_61 = arith.minsi %min3A_39, %max3A_60 : vector<1024x128xi32>
    %broadcast_in_dim3A_62 = vector.shape_cast %reduce_sum3A_8 : vector<1024xf32> to vector<1024x1xf32>
    %slice3A_63 = vector.extract_strided_slice %reduce_sum3A_5 {offsets = [256], sizes = [128], strides = [1]} : vector<4096xf32> to vector<128xf32>
    %broadcast_in_dim3A_64 = vector.shape_cast %slice3A_63 : vector<128xf32> to vector<1x128xf32>
    %add3A_65 = vector.broadcast %broadcast_in_dim3A_62 : vector<1024x1xf32> to vector<1024x128xf32>
    %add3A_66 = vector.broadcast %broadcast_in_dim3A_64 : vector<1x128xf32> to vector<1024x128xf32>
    %add3A_67 = arith.addf %add3A_65, %add3A_66 : vector<1024x128xf32>
    %slice3A_68 = vector.extract_strided_slice %add3A_20 {offsets = [0, 256], sizes = [1024, 128], strides = [1, 1]} : vector<1024x4096xf32> to vector<1024x128xf32>
    %mul3A_69 = arith.constant 2.000000e+00 : f32
    %mul3A_70 = vector.broadcast %mul3A_69 : f32 to vector<1024x128xf32>
    %mul3A_71 = arith.mulf %mul3A_70, %slice3A_68 : vector<1024x128xf32>
    %sub3A_72 = arith.subf %add3A_67, %mul3A_71 : vector<1024x128xf32>
    %bitcast_convert_type3A_73 = tpu.bitcast %sub3A_72 : vector<1024x128xf32> -> vector<1024x128xi32>
    %and3A_74 = arith.constant -4096 : i32
    %and3A_75 = vector.broadcast %and3A_74 : i32 to vector<1024x128xi32>
    %and3A_76 = arith.andi %bitcast_convert_type3A_73, %and3A_75 : vector<1024x128xi32>
    %add3A_77 = arith.constant 256 : i32
    %add3A_78 = vector.broadcast %add3A_77 : i32 to vector<1024x128xi32>
    %add3A_79 = arith.addi %iota3A, %add3A_78 : vector<1024x128xi32>
    %or3A_80 = arith.ori %and3A_76, %add3A_79 : vector<1024x128xi32>
    %min3A_81 = arith.minsi %min3A_59, %or3A_80 : vector<1024x128xi32>
    %max3A_82 = arith.maxsi %min3A_59, %or3A_80 : vector<1024x128xi32>
    %min3A_83 = arith.minsi %min3A_61, %max3A_82 : vector<1024x128xi32>
    %broadcast_in_dim3A_84 = vector.shape_cast %reduce_sum3A_8 : vector<1024xf32> to vector<1024x1xf32>
    %slice3A_85 = vector.extract_strided_slice %reduce_sum3A_5 {offsets = [384], sizes = [128], strides = [1]} : vector<4096xf32> to vector<128xf32>
    %broadcast_in_dim3A_86 = vector.shape_cast %slice3A_85 : vector<128xf32> to vector<1x128xf32>
    %add3A_87 = vector.broadcast %broadcast_in_dim3A_84 : vector<1024x1xf32> to vector<1024x128xf32>
    %add3A_88 = vector.broadcast %broadcast_in_dim3A_86 : vector<1x128xf32> to vector<1024x128xf32>
    %add3A_89 = arith.addf %add3A_87, %add3A_88 : vector<1024x128xf32>
    %slice3A_90 = vector.extract_strided_slice %add3A_20 {offsets = [0, 384], sizes = [1024, 128], strides = [1, 1]} : vector<1024x4096xf32> to vector<1024x128xf32>
    %mul3A_91 = arith.constant 2.000000e+00 : f32
    %mul3A_92 = vector.broadcast %mul3A_91 : f32 to vector<1024x128xf32>
    %mul3A_93 = arith.mulf %mul3A_92, %slice3A_90 : vector<1024x128xf32>
    %sub3A_94 = arith.subf %add3A_89, %mul3A_93 : vector<1024x128xf32>
    %bitcast_convert_type3A_95 = tpu.bitcast %sub3A_94 : vector<1024x128xf32> -> vector<1024x128xi32>
    %and3A_96 = arith.constant -4096 : i32
    %and3A_97 = vector.broadcast %and3A_96 : i32 to vector<1024x128xi32>
    %and3A_98 = arith.andi %bitcast_convert_type3A_95, %and3A_97 : vector<1024x128xi32>
    %add3A_99 = arith.constant 384 : i32
    %add3A_100 = vector.broadcast %add3A_99 : i32 to vector<1024x128xi32>
    %add3A_101 = arith.addi %iota3A, %add3A_100 : vector<1024x128xi32>
    %or3A_102 = arith.ori %and3A_98, %add3A_101 : vector<1024x128xi32>
    %min3A_103 = arith.minsi %min3A_81, %or3A_102 : vector<1024x128xi32>
    %max3A_104 = arith.maxsi %min3A_81, %or3A_102 : vector<1024x128xi32>
    %min3A_105 = arith.minsi %min3A_83, %max3A_104 : vector<1024x128xi32>
    %broadcast_in_dim3A_106 = vector.shape_cast %reduce_sum3A_8 : vector<1024xf32> to vector<1024x1xf32>
    %slice3A_107 = vector.extract_strided_slice %reduce_sum3A_5 {offsets = [512], sizes = [128], strides = [1]} : vector<4096xf32> to vector<128xf32>
    %broadcast_in_dim3A_108 = vector.shape_cast %slice3A_107 : vector<128xf32> to vector<1x128xf32>
    %add3A_109 = vector.broadcast %broadcast_in_dim3A_106 : vector<1024x1xf32> to vector<1024x128xf32>
    %add3A_110 = vector.broadcast %broadcast_in_dim3A_108 : vector<1x128xf32> to vector<1024x128xf32>
    %add3A_111 = arith.addf %add3A_109, %add3A_110 : vector<1024x128xf32>
    %slice3A_112 = vector.extract_strided_slice %add3A_20 {offsets = [0, 512], sizes = [1024, 128], strides = [1, 1]} : vector<1024x4096xf32> to vector<1024x128xf32>
    %mul3A_113 = arith.constant 2.000000e+00 : f32
    %mul3A_114 = vector.broadcast %mul3A_113 : f32 to vector<1024x128xf32>
    %mul3A_115 = arith.mulf %mul3A_114, %slice3A_112 : vector<1024x128xf32>
    %sub3A_116 = arith.subf %add3A_111, %mul3A_115 : vector<1024x128xf32>
    %bitcast_convert_type3A_117 = tpu.bitcast %sub3A_116 : vector<1024x128xf32> -> vector<1024x128xi32>
    %and3A_118 = arith.constant -4096 : i32
    %and3A_119 = vector.broadcast %and3A_118 : i32 to vector<1024x128xi32>
    %and3A_120 = arith.andi %bitcast_convert_type3A_117, %and3A_119 : vector<1024x128xi32>
    %add3A_121 = arith.constant 512 : i32
    %add3A_122 = vector.broadcast %add3A_121 : i32 to vector<1024x128xi32>
    %add3A_123 = arith.addi %iota3A, %add3A_122 : vector<1024x128xi32>
    %or3A_124 = arith.ori %and3A_120, %add3A_123 : vector<1024x128xi32>
    %min3A_125 = arith.minsi %min3A_103, %or3A_124 : vector<1024x128xi32>
    %max3A_126 = arith.maxsi %min3A_103, %or3A_124 : vector<1024x128xi32>
    %min3A_127 = arith.minsi %min3A_105, %max3A_126 : vector<1024x128xi32>
    %broadcast_in_dim3A_128 = vector.shape_cast %reduce_sum3A_8 : vector<1024xf32> to vector<1024x1xf32>
    %slice3A_129 = vector.extract_strided_slice %reduce_sum3A_5 {offsets = [640], sizes = [128], strides = [1]} : vector<4096xf32> to vector<128xf32>
    %broadcast_in_dim3A_130 = vector.shape_cast %slice3A_129 : vector<128xf32> to vector<1x128xf32>
    %add3A_131 = vector.broadcast %broadcast_in_dim3A_128 : vector<1024x1xf32> to vector<1024x128xf32>
    %add3A_132 = vector.broadcast %broadcast_in_dim3A_130 : vector<1x128xf32> to vector<1024x128xf32>
    %add3A_133 = arith.addf %add3A_131, %add3A_132 : vector<1024x128xf32>
    %slice3A_134 = vector.extract_strided_slice %add3A_20 {offsets = [0, 640], sizes = [1024, 128], strides = [1, 1]} : vector<1024x4096xf32> to vector<1024x128xf32>
    %mul3A_135 = arith.constant 2.000000e+00 : f32
    %mul3A_136 = vector.broadcast %mul3A_135 : f32 to vector<1024x128xf32>
    %mul3A_137 = arith.mulf %mul3A_136, %slice3A_134 : vector<1024x128xf32>
    %sub3A_138 = arith.subf %add3A_133, %mul3A_137 : vector<1024x128xf32>
    %bitcast_convert_type3A_139 = tpu.bitcast %sub3A_138 : vector<1024x128xf32> -> vector<1024x128xi32>
    %and3A_140 = arith.constant -4096 : i32
    %and3A_141 = vector.broadcast %and3A_140 : i32 to vector<1024x128xi32>
    %and3A_142 = arith.andi %bitcast_convert_type3A_139, %and3A_141 : vector<1024x128xi32>
    %add3A_143 = arith.constant 640 : i32
    %add3A_144 = vector.broadcast %add3A_143 : i32 to vector<1024x128xi32>
    %add3A_145 = arith.addi %iota3A, %add3A_144 : vector<1024x128xi32>
    %or3A_146 = arith.ori %and3A_142, %add3A_145 : vector<1024x128xi32>
    %min3A_147 = arith.minsi %min3A_125, %or3A_146 : vector<1024x128xi32>
    %max3A_148 = arith.maxsi %min3A_125, %or3A_146 : vector<1024x128xi32>
    %min3A_149 = arith.minsi %min3A_127, %max3A_148 : vector<1024x128xi32>
    %broadcast_in_dim3A_150 = vector.shape_cast %reduce_sum3A_8 : vector<1024xf32> to vector<1024x1xf32>
    %slice3A_151 = vector.extract_strided_slice %reduce_sum3A_5 {offsets = [768], sizes = [128], strides = [1]} : vector<4096xf32> to vector<128xf32>
    %broadcast_in_dim3A_152 = vector.shape_cast %slice3A_151 : vector<128xf32> to vector<1x128xf32>
    %add3A_153 = vector.broadcast %broadcast_in_dim3A_150 : vector<1024x1xf32> to vector<1024x128xf32>
    %add3A_154 = vector.broadcast %broadcast_in_dim3A_152 : vector<1x128xf32> to vector<1024x128xf32>
    %add3A_155 = arith.addf %add3A_153, %add3A_154 : vector<1024x128xf32>
    %slice3A_156 = vector.extract_strided_slice %add3A_20 {offsets = [0, 768], sizes = [1024, 128], strides = [1, 1]} : vector<1024x4096xf32> to vector<1024x128xf32>
    %mul3A_157 = arith.constant 2.000000e+00 : f32
    %mul3A_158 = vector.broadcast %mul3A_157 : f32 to vector<1024x128xf32>
    %mul3A_159 = arith.mulf %mul3A_158, %slice3A_156 : vector<1024x128xf32>
    %sub3A_160 = arith.subf %add3A_155, %mul3A_159 : vector<1024x128xf32>
    %bitcast_convert_type3A_161 = tpu.bitcast %sub3A_160 : vector<1024x128xf32> -> vector<1024x128xi32>
    %and3A_162 = arith.constant -4096 : i32
    %and3A_163 = vector.broadcast %and3A_162 : i32 to vector<1024x128xi32>
    %and3A_164 = arith.andi %bitcast_convert_type3A_161, %and3A_163 : vector<1024x128xi32>
    %add3A_165 = arith.constant 768 : i32
    %add3A_166 = vector.broadcast %add3A_165 : i32 to vector<1024x128xi32>
    %add3A_167 = arith.addi %iota3A, %add3A_166 : vector<1024x128xi32>
    %or3A_168 = arith.ori %and3A_164, %add3A_167 : vector<1024x128xi32>
    %min3A_169 = arith.minsi %min3A_147, %or3A_168 : vector<1024x128xi32>
    %max3A_170 = arith.maxsi %min3A_147, %or3A_168 : vector<1024x128xi32>
    %min3A_171 = arith.minsi %min3A_149, %max3A_170 : vector<1024x128xi32>
    %broadcast_in_dim3A_172 = vector.shape_cast %reduce_sum3A_8 : vector<1024xf32> to vector<1024x1xf32>
    %slice3A_173 = vector.extract_strided_slice %reduce_sum3A_5 {offsets = [896], sizes = [128], strides = [1]} : vector<4096xf32> to vector<128xf32>
    %broadcast_in_dim3A_174 = vector.shape_cast %slice3A_173 : vector<128xf32> to vector<1x128xf32>
    %add3A_175 = vector.broadcast %broadcast_in_dim3A_172 : vector<1024x1xf32> to vector<1024x128xf32>
    %add3A_176 = vector.broadcast %broadcast_in_dim3A_174 : vector<1x128xf32> to vector<1024x128xf32>
    %add3A_177 = arith.addf %add3A_175, %add3A_176 : vector<1024x128xf32>
    %slice3A_178 = vector.extract_strided_slice %add3A_20 {offsets = [0, 896], sizes = [1024, 128], strides = [1, 1]} : vector<1024x4096xf32> to vector<1024x128xf32>
    %mul3A_179 = arith.constant 2.000000e+00 : f32
    %mul3A_180 = vector.broadcast %mul3A_179 : f32 to vector<1024x128xf32>
    %mul3A_181 = arith.mulf %mul3A_180, %slice3A_178 : vector<1024x128xf32>
    %sub3A_182 = arith.subf %add3A_177, %mul3A_181 : vector<1024x128xf32>
    %bitcast_convert_type3A_183 = tpu.bitcast %sub3A_182 : vector<1024x128xf32> -> vector<1024x128xi32>
    %and3A_184 = arith.constant -4096 : i32
    %and3A_185 = vector.broadcast %and3A_184 : i32 to vector<1024x128xi32>
    %and3A_186 = arith.andi %bitcast_convert_type3A_183, %and3A_185 : vector<1024x128xi32>
    %add3A_187 = arith.constant 896 : i32
    %add3A_188 = vector.broadcast %add3A_187 : i32 to vector<1024x128xi32>
    %add3A_189 = arith.addi %iota3A, %add3A_188 : vector<1024x128xi32>
    %or3A_190 = arith.ori %and3A_186, %add3A_189 : vector<1024x128xi32>
    %min3A_191 = arith.minsi %min3A_169, %or3A_190 : vector<1024x128xi32>
    %max3A_192 = arith.maxsi %min3A_169, %or3A_190 : vector<1024x128xi32>
    %min3A_193 = arith.minsi %min3A_171, %max3A_192 : vector<1024x128xi32>
    %broadcast_in_dim3A_194 = vector.shape_cast %reduce_sum3A_8 : vector<1024xf32> to vector<1024x1xf32>
    %slice3A_195 = vector.extract_strided_slice %reduce_sum3A_5 {offsets = [1024], sizes = [128], strides = [1]} : vector<4096xf32> to vector<128xf32>
    %broadcast_in_dim3A_196 = vector.shape_cast %slice3A_195 : vector<128xf32> to vector<1x128xf32>
    %add3A_197 = vector.broadcast %broadcast_in_dim3A_194 : vector<1024x1xf32> to vector<1024x128xf32>
    %add3A_198 = vector.broadcast %broadcast_in_dim3A_196 : vector<1x128xf32> to vector<1024x128xf32>
    %add3A_199 = arith.addf %add3A_197, %add3A_198 : vector<1024x128xf32>
    %slice3A_200 = vector.extract_strided_slice %add3A_20 {offsets = [0, 1024], sizes = [1024, 128], strides = [1, 1]} : vector<1024x4096xf32> to vector<1024x128xf32>
    %mul3A_201 = arith.constant 2.000000e+00 : f32
    %mul3A_202 = vector.broadcast %mul3A_201 : f32 to vector<1024x128xf32>
    %mul3A_203 = arith.mulf %mul3A_202, %slice3A_200 : vector<1024x128xf32>
    %sub3A_204 = arith.subf %add3A_199, %mul3A_203 : vector<1024x128xf32>
    %bitcast_convert_type3A_205 = tpu.bitcast %sub3A_204 : vector<1024x128xf32> -> vector<1024x128xi32>
    %and3A_206 = arith.constant -4096 : i32
    %and3A_207 = vector.broadcast %and3A_206 : i32 to vector<1024x128xi32>
    %and3A_208 = arith.andi %bitcast_convert_type3A_205, %and3A_207 : vector<1024x128xi32>
    %add3A_209 = arith.constant 1024 : i32
    %add3A_210 = vector.broadcast %add3A_209 : i32 to vector<1024x128xi32>
    %add3A_211 = arith.addi %iota3A, %add3A_210 : vector<1024x128xi32>
    %or3A_212 = arith.ori %and3A_208, %add3A_211 : vector<1024x128xi32>
    %min3A_213 = arith.minsi %min3A_191, %or3A_212 : vector<1024x128xi32>
    %max3A_214 = arith.maxsi %min3A_191, %or3A_212 : vector<1024x128xi32>
    %min3A_215 = arith.minsi %min3A_193, %max3A_214 : vector<1024x128xi32>
    %broadcast_in_dim3A_216 = vector.shape_cast %reduce_sum3A_8 : vector<1024xf32> to vector<1024x1xf32>
    %slice3A_217 = vector.extract_strided_slice %reduce_sum3A_5 {offsets = [1152], sizes = [128], strides = [1]} : vector<4096xf32> to vector<128xf32>
    %broadcast_in_dim3A_218 = vector.shape_cast %slice3A_217 : vector<128xf32> to vector<1x128xf32>
    %add3A_219 = vector.broadcast %broadcast_in_dim3A_216 : vector<1024x1xf32> to vector<1024x128xf32>
    %add3A_220 = vector.broadcast %broadcast_in_dim3A_218 : vector<1x128xf32> to vector<1024x128xf32>
    %add3A_221 = arith.addf %add3A_219, %add3A_220 : vector<1024x128xf32>
    %slice3A_222 = vector.extract_strided_slice %add3A_20 {offsets = [0, 1152], sizes = [1024, 128], strides = [1, 1]} : vector<1024x4096xf32> to vector<1024x128xf32>
    %mul3A_223 = arith.constant 2.000000e+00 : f32
    %mul3A_224 = vector.broadcast %mul3A_223 : f32 to vector<1024x128xf32>
    %mul3A_225 = arith.mulf %mul3A_224, %slice3A_222 : vector<1024x128xf32>
    %sub3A_226 = arith.subf %add3A_221, %mul3A_225 : vector<1024x128xf32>
    %bitcast_convert_type3A_227 = tpu.bitcast %sub3A_226 : vector<1024x128xf32> -> vector<1024x128xi32>
    %and3A_228 = arith.constant -4096 : i32
    %and3A_229 = vector.broadcast %and3A_228 : i32 to vector<1024x128xi32>
    %and3A_230 = arith.andi %bitcast_convert_type3A_227, %and3A_229 : vector<1024x128xi32>
    %add3A_231 = arith.constant 1152 : i32
    %add3A_232 = vector.broadcast %add3A_231 : i32 to vector<1024x128xi32>
    %add3A_233 = arith.addi %iota3A, %add3A_232 : vector<1024x128xi32>
    %or3A_234 = arith.ori %and3A_230, %add3A_233 : vector<1024x128xi32>
    %min3A_235 = arith.minsi %min3A_213, %or3A_234 : vector<1024x128xi32>
    %max3A_236 = arith.maxsi %min3A_213, %or3A_234 : vector<1024x128xi32>
    %min3A_237 = arith.minsi %min3A_215, %max3A_236 : vector<1024x128xi32>
    %broadcast_in_dim3A_238 = vector.shape_cast %reduce_sum3A_8 : vector<1024xf32> to vector<1024x1xf32>
    %slice3A_239 = vector.extract_strided_slice %reduce_sum3A_5 {offsets = [1280], sizes = [128], strides = [1]} : vector<4096xf32> to vector<128xf32>
    %broadcast_in_dim3A_240 = vector.shape_cast %slice3A_239 : vector<128xf32> to vector<1x128xf32>
    %add3A_241 = vector.broadcast %broadcast_in_dim3A_238 : vector<1024x1xf32> to vector<1024x128xf32>
    %add3A_242 = vector.broadcast %broadcast_in_dim3A_240 : vector<1x128xf32> to vector<1024x128xf32>
    %add3A_243 = arith.addf %add3A_241, %add3A_242 : vector<1024x128xf32>
    %slice3A_244 = vector.extract_strided_slice %add3A_20 {offsets = [0, 1280], sizes = [1024, 128], strides = [1, 1]} : vector<1024x4096xf32> to vector<1024x128xf32>
    %mul3A_245 = arith.constant 2.000000e+00 : f32
    %mul3A_246 = vector.broadcast %mul3A_245 : f32 to vector<1024x128xf32>
    %mul3A_247 = arith.mulf %mul3A_246, %slice3A_244 : vector<1024x128xf32>
    %sub3A_248 = arith.subf %add3A_243, %mul3A_247 : vector<1024x128xf32>
    %bitcast_convert_type3A_249 = tpu.bitcast %sub3A_248 : vector<1024x128xf32> -> vector<1024x128xi32>
    %and3A_250 = arith.constant -4096 : i32
    %and3A_251 = vector.broadcast %and3A_250 : i32 to vector<1024x128xi32>
    %and3A_252 = arith.andi %bitcast_convert_type3A_249, %and3A_251 : vector<1024x128xi32>
    %add3A_253 = arith.constant 1280 : i32
    %add3A_254 = vector.broadcast %add3A_253 : i32 to vector<1024x128xi32>
    %add3A_255 = arith.addi %iota3A, %add3A_254 : vector<1024x128xi32>
    %or3A_256 = arith.ori %and3A_252, %add3A_255 : vector<1024x128xi32>
    %min3A_257 = arith.minsi %min3A_235, %or3A_256 : vector<1024x128xi32>
    %max3A_258 = arith.maxsi %min3A_235, %or3A_256 : vector<1024x128xi32>
    %min3A_259 = arith.minsi %min3A_237, %max3A_258 : vector<1024x128xi32>
    %broadcast_in_dim3A_260 = vector.shape_cast %reduce_sum3A_8 : vector<1024xf32> to vector<1024x1xf32>
    %slice3A_261 = vector.extract_strided_slice %reduce_sum3A_5 {offsets = [1408], sizes = [128], strides = [1]} : vector<4096xf32> to vector<128xf32>
    %broadcast_in_dim3A_262 = vector.shape_cast %slice3A_261 : vector<128xf32> to vector<1x128xf32>
    %add3A_263 = vector.broadcast %broadcast_in_dim3A_260 : vector<1024x1xf32> to vector<1024x128xf32>
    %add3A_264 = vector.broadcast %broadcast_in_dim3A_262 : vector<1x128xf32> to vector<1024x128xf32>
    %add3A_265 = arith.addf %add3A_263, %add3A_264 : vector<1024x128xf32>
    %slice3A_266 = vector.extract_strided_slice %add3A_20 {offsets = [0, 1408], sizes = [1024, 128], strides = [1, 1]} : vector<1024x4096xf32> to vector<1024x128xf32>
    %mul3A_267 = arith.constant 2.000000e+00 : f32
    %mul3A_268 = vector.broadcast %mul3A_267 : f32 to vector<1024x128xf32>
    %mul3A_269 = arith.mulf %mul3A_268, %slice3A_266 : vector<1024x128xf32>
    %sub3A_270 = arith.subf %add3A_265, %mul3A_269 : vector<1024x128xf32>
    %bitcast_convert_type3A_271 = tpu.bitcast %sub3A_270 : vector<1024x128xf32> -> vector<1024x128xi32>
    %and3A_272 = arith.constant -4096 : i32
    %and3A_273 = vector.broadcast %and3A_272 : i32 to vector<1024x128xi32>
    %and3A_274 = arith.andi %bitcast_convert_type3A_271, %and3A_273 : vector<1024x128xi32>
    %add3A_275 = arith.constant 1408 : i32
    %add3A_276 = vector.broadcast %add3A_275 : i32 to vector<1024x128xi32>
    %add3A_277 = arith.addi %iota3A, %add3A_276 : vector<1024x128xi32>
    %or3A_278 = arith.ori %and3A_274, %add3A_277 : vector<1024x128xi32>
    %min3A_279 = arith.minsi %min3A_257, %or3A_278 : vector<1024x128xi32>
    %max3A_280 = arith.maxsi %min3A_257, %or3A_278 : vector<1024x128xi32>
    %min3A_281 = arith.minsi %min3A_259, %max3A_280 : vector<1024x128xi32>
    %broadcast_in_dim3A_282 = vector.shape_cast %reduce_sum3A_8 : vector<1024xf32> to vector<1024x1xf32>
    %slice3A_283 = vector.extract_strided_slice %reduce_sum3A_5 {offsets = [1536], sizes = [128], strides = [1]} : vector<4096xf32> to vector<128xf32>
    %broadcast_in_dim3A_284 = vector.shape_cast %slice3A_283 : vector<128xf32> to vector<1x128xf32>
    %add3A_285 = vector.broadcast %broadcast_in_dim3A_282 : vector<1024x1xf32> to vector<1024x128xf32>
    %add3A_286 = vector.broadcast %broadcast_in_dim3A_284 : vector<1x128xf32> to vector<1024x128xf32>
    %add3A_287 = arith.addf %add3A_285, %add3A_286 : vector<1024x128xf32>
    %slice3A_288 = vector.extract_strided_slice %add3A_20 {offsets = [0, 1536], sizes = [1024, 128], strides = [1, 1]} : vector<1024x4096xf32> to vector<1024x128xf32>
    %mul3A_289 = arith.constant 2.000000e+00 : f32
    %mul3A_290 = vector.broadcast %mul3A_289 : f32 to vector<1024x128xf32>
    %mul3A_291 = arith.mulf %mul3A_290, %slice3A_288 : vector<1024x128xf32>
    %sub3A_292 = arith.subf %add3A_287, %mul3A_291 : vector<1024x128xf32>
    %bitcast_convert_type3A_293 = tpu.bitcast %sub3A_292 : vector<1024x128xf32> -> vector<1024x128xi32>
    %and3A_294 = arith.constant -4096 : i32
    %and3A_295 = vector.broadcast %and3A_294 : i32 to vector<1024x128xi32>
    %and3A_296 = arith.andi %bitcast_convert_type3A_293, %and3A_295 : vector<1024x128xi32>
    %add3A_297 = arith.constant 1536 : i32
    %add3A_298 = vector.broadcast %add3A_297 : i32 to vector<1024x128xi32>
    %add3A_299 = arith.addi %iota3A, %add3A_298 : vector<1024x128xi32>
    %or3A_300 = arith.ori %and3A_296, %add3A_299 : vector<1024x128xi32>
    %min3A_301 = arith.minsi %min3A_279, %or3A_300 : vector<1024x128xi32>
    %max3A_302 = arith.maxsi %min3A_279, %or3A_300 : vector<1024x128xi32>
    %min3A_303 = arith.minsi %min3A_281, %max3A_302 : vector<1024x128xi32>
    %broadcast_in_dim3A_304 = vector.shape_cast %reduce_sum3A_8 : vector<1024xf32> to vector<1024x1xf32>
    %slice3A_305 = vector.extract_strided_slice %reduce_sum3A_5 {offsets = [1664], sizes = [128], strides = [1]} : vector<4096xf32> to vector<128xf32>
    %broadcast_in_dim3A_306 = vector.shape_cast %slice3A_305 : vector<128xf32> to vector<1x128xf32>
    %add3A_307 = vector.broadcast %broadcast_in_dim3A_304 : vector<1024x1xf32> to vector<1024x128xf32>
    %add3A_308 = vector.broadcast %broadcast_in_dim3A_306 : vector<1x128xf32> to vector<1024x128xf32>
    %add3A_309 = arith.addf %add3A_307, %add3A_308 : vector<1024x128xf32>
    %slice3A_310 = vector.extract_strided_slice %add3A_20 {offsets = [0, 1664], sizes = [1024, 128], strides = [1, 1]} : vector<1024x4096xf32> to vector<1024x128xf32>
    %mul3A_311 = arith.constant 2.000000e+00 : f32
    %mul3A_312 = vector.broadcast %mul3A_311 : f32 to vector<1024x128xf32>
    %mul3A_313 = arith.mulf %mul3A_312, %slice3A_310 : vector<1024x128xf32>
    %sub3A_314 = arith.subf %add3A_309, %mul3A_313 : vector<1024x128xf32>
    %bitcast_convert_type3A_315 = tpu.bitcast %sub3A_314 : vector<1024x128xf32> -> vector<1024x128xi32>
    %and3A_316 = arith.constant -4096 : i32
    %and3A_317 = vector.broadcast %and3A_316 : i32 to vector<1024x128xi32>
    %and3A_318 = arith.andi %bitcast_convert_type3A_315, %and3A_317 : vector<1024x128xi32>
    %add3A_319 = arith.constant 1664 : i32
    %add3A_320 = vector.broadcast %add3A_319 : i32 to vector<1024x128xi32>
    %add3A_321 = arith.addi %iota3A, %add3A_320 : vector<1024x128xi32>
    %or3A_322 = arith.ori %and3A_318, %add3A_321 : vector<1024x128xi32>
    %min3A_323 = arith.minsi %min3A_301, %or3A_322 : vector<1024x128xi32>
    %max3A_324 = arith.maxsi %min3A_301, %or3A_322 : vector<1024x128xi32>
    %min3A_325 = arith.minsi %min3A_303, %max3A_324 : vector<1024x128xi32>
    %broadcast_in_dim3A_326 = vector.shape_cast %reduce_sum3A_8 : vector<1024xf32> to vector<1024x1xf32>
    %slice3A_327 = vector.extract_strided_slice %reduce_sum3A_5 {offsets = [1792], sizes = [128], strides = [1]} : vector<4096xf32> to vector<128xf32>
    %broadcast_in_dim3A_328 = vector.shape_cast %slice3A_327 : vector<128xf32> to vector<1x128xf32>
    %add3A_329 = vector.broadcast %broadcast_in_dim3A_326 : vector<1024x1xf32> to vector<1024x128xf32>
    %add3A_330 = vector.broadcast %broadcast_in_dim3A_328 : vector<1x128xf32> to vector<1024x128xf32>
    %add3A_331 = arith.addf %add3A_329, %add3A_330 : vector<1024x128xf32>
    %slice3A_332 = vector.extract_strided_slice %add3A_20 {offsets = [0, 1792], sizes = [1024, 128], strides = [1, 1]} : vector<1024x4096xf32> to vector<1024x128xf32>
    %mul3A_333 = arith.constant 2.000000e+00 : f32
    %mul3A_334 = vector.broadcast %mul3A_333 : f32 to vector<1024x128xf32>
    %mul3A_335 = arith.mulf %mul3A_334, %slice3A_332 : vector<1024x128xf32>
    %sub3A_336 = arith.subf %add3A_331, %mul3A_335 : vector<1024x128xf32>
    %bitcast_convert_type3A_337 = tpu.bitcast %sub3A_336 : vector<1024x128xf32> -> vector<1024x128xi32>
    %and3A_338 = arith.constant -4096 : i32
    %and3A_339 = vector.broadcast %and3A_338 : i32 to vector<1024x128xi32>
    %and3A_340 = arith.andi %bitcast_convert_type3A_337, %and3A_339 : vector<1024x128xi32>
    %add3A_341 = arith.constant 1792 : i32
    %add3A_342 = vector.broadcast %add3A_341 : i32 to vector<1024x128xi32>
    %add3A_343 = arith.addi %iota3A, %add3A_342 : vector<1024x128xi32>
    %or3A_344 = arith.ori %and3A_340, %add3A_343 : vector<1024x128xi32>
    %min3A_345 = arith.minsi %min3A_323, %or3A_344 : vector<1024x128xi32>
    %max3A_346 = arith.maxsi %min3A_323, %or3A_344 : vector<1024x128xi32>
    %min3A_347 = arith.minsi %min3A_325, %max3A_346 : vector<1024x128xi32>
    %broadcast_in_dim3A_348 = vector.shape_cast %reduce_sum3A_8 : vector<1024xf32> to vector<1024x1xf32>
    %slice3A_349 = vector.extract_strided_slice %reduce_sum3A_5 {offsets = [1920], sizes = [128], strides = [1]} : vector<4096xf32> to vector<128xf32>
    %broadcast_in_dim3A_350 = vector.shape_cast %slice3A_349 : vector<128xf32> to vector<1x128xf32>
    %add3A_351 = vector.broadcast %broadcast_in_dim3A_348 : vector<1024x1xf32> to vector<1024x128xf32>
    %add3A_352 = vector.broadcast %broadcast_in_dim3A_350 : vector<1x128xf32> to vector<1024x128xf32>
    %add3A_353 = arith.addf %add3A_351, %add3A_352 : vector<1024x128xf32>
    %slice3A_354 = vector.extract_strided_slice %add3A_20 {offsets = [0, 1920], sizes = [1024, 128], strides = [1, 1]} : vector<1024x4096xf32> to vector<1024x128xf32>
    %mul3A_355 = arith.constant 2.000000e+00 : f32
    %mul3A_356 = vector.broadcast %mul3A_355 : f32 to vector<1024x128xf32>
    %mul3A_357 = arith.mulf %mul3A_356, %slice3A_354 : vector<1024x128xf32>
    %sub3A_358 = arith.subf %add3A_353, %mul3A_357 : vector<1024x128xf32>
    %bitcast_convert_type3A_359 = tpu.bitcast %sub3A_358 : vector<1024x128xf32> -> vector<1024x128xi32>
    %and3A_360 = arith.constant -4096 : i32
    %and3A_361 = vector.broadcast %and3A_360 : i32 to vector<1024x128xi32>
    %and3A_362 = arith.andi %bitcast_convert_type3A_359, %and3A_361 : vector<1024x128xi32>
    %add3A_363 = arith.constant 1920 : i32
    %add3A_364 = vector.broadcast %add3A_363 : i32 to vector<1024x128xi32>
    %add3A_365 = arith.addi %iota3A, %add3A_364 : vector<1024x128xi32>
    %or3A_366 = arith.ori %and3A_362, %add3A_365 : vector<1024x128xi32>
    %min3A_367 = arith.minsi %min3A_345, %or3A_366 : vector<1024x128xi32>
    %max3A_368 = arith.maxsi %min3A_345, %or3A_366 : vector<1024x128xi32>
    %min3A_369 = arith.minsi %min3A_347, %max3A_368 : vector<1024x128xi32>
    %broadcast_in_dim3A_370 = vector.shape_cast %reduce_sum3A_8 : vector<1024xf32> to vector<1024x1xf32>
    %slice3A_371 = vector.extract_strided_slice %reduce_sum3A_5 {offsets = [2048], sizes = [128], strides = [1]} : vector<4096xf32> to vector<128xf32>
    %broadcast_in_dim3A_372 = vector.shape_cast %slice3A_371 : vector<128xf32> to vector<1x128xf32>
    %add3A_373 = vector.broadcast %broadcast_in_dim3A_370 : vector<1024x1xf32> to vector<1024x128xf32>
    %add3A_374 = vector.broadcast %broadcast_in_dim3A_372 : vector<1x128xf32> to vector<1024x128xf32>
    %add3A_375 = arith.addf %add3A_373, %add3A_374 : vector<1024x128xf32>
    %slice3A_376 = vector.extract_strided_slice %add3A_20 {offsets = [0, 2048], sizes = [1024, 128], strides = [1, 1]} : vector<1024x4096xf32> to vector<1024x128xf32>
    %mul3A_377 = arith.constant 2.000000e+00 : f32
    %mul3A_378 = vector.broadcast %mul3A_377 : f32 to vector<1024x128xf32>
    %mul3A_379 = arith.mulf %mul3A_378, %slice3A_376 : vector<1024x128xf32>
    %sub3A_380 = arith.subf %add3A_375, %mul3A_379 : vector<1024x128xf32>
    %bitcast_convert_type3A_381 = tpu.bitcast %sub3A_380 : vector<1024x128xf32> -> vector<1024x128xi32>
    %and3A_382 = arith.constant -4096 : i32
    %and3A_383 = vector.broadcast %and3A_382 : i32 to vector<1024x128xi32>
    %and3A_384 = arith.andi %bitcast_convert_type3A_381, %and3A_383 : vector<1024x128xi32>
    %add3A_385 = arith.constant 2048 : i32
    %add3A_386 = vector.broadcast %add3A_385 : i32 to vector<1024x128xi32>
    %add3A_387 = arith.addi %iota3A, %add3A_386 : vector<1024x128xi32>
    %or3A_388 = arith.ori %and3A_384, %add3A_387 : vector<1024x128xi32>
    %min3A_389 = arith.minsi %min3A_367, %or3A_388 : vector<1024x128xi32>
    %max3A_390 = arith.maxsi %min3A_367, %or3A_388 : vector<1024x128xi32>
    %min3A_391 = arith.minsi %min3A_369, %max3A_390 : vector<1024x128xi32>
    %broadcast_in_dim3A_392 = vector.shape_cast %reduce_sum3A_8 : vector<1024xf32> to vector<1024x1xf32>
    %slice3A_393 = vector.extract_strided_slice %reduce_sum3A_5 {offsets = [2176], sizes = [128], strides = [1]} : vector<4096xf32> to vector<128xf32>
    %broadcast_in_dim3A_394 = vector.shape_cast %slice3A_393 : vector<128xf32> to vector<1x128xf32>
    %add3A_395 = vector.broadcast %broadcast_in_dim3A_392 : vector<1024x1xf32> to vector<1024x128xf32>
    %add3A_396 = vector.broadcast %broadcast_in_dim3A_394 : vector<1x128xf32> to vector<1024x128xf32>
    %add3A_397 = arith.addf %add3A_395, %add3A_396 : vector<1024x128xf32>
    %slice3A_398 = vector.extract_strided_slice %add3A_20 {offsets = [0, 2176], sizes = [1024, 128], strides = [1, 1]} : vector<1024x4096xf32> to vector<1024x128xf32>
    %mul3A_399 = arith.constant 2.000000e+00 : f32
    %mul3A_400 = vector.broadcast %mul3A_399 : f32 to vector<1024x128xf32>
    %mul3A_401 = arith.mulf %mul3A_400, %slice3A_398 : vector<1024x128xf32>
    %sub3A_402 = arith.subf %add3A_397, %mul3A_401 : vector<1024x128xf32>
    %bitcast_convert_type3A_403 = tpu.bitcast %sub3A_402 : vector<1024x128xf32> -> vector<1024x128xi32>
    %and3A_404 = arith.constant -4096 : i32
    %and3A_405 = vector.broadcast %and3A_404 : i32 to vector<1024x128xi32>
    %and3A_406 = arith.andi %bitcast_convert_type3A_403, %and3A_405 : vector<1024x128xi32>
    %add3A_407 = arith.constant 2176 : i32
    %add3A_408 = vector.broadcast %add3A_407 : i32 to vector<1024x128xi32>
    %add3A_409 = arith.addi %iota3A, %add3A_408 : vector<1024x128xi32>
    %or3A_410 = arith.ori %and3A_406, %add3A_409 : vector<1024x128xi32>
    %min3A_411 = arith.minsi %min3A_389, %or3A_410 : vector<1024x128xi32>
    %max3A_412 = arith.maxsi %min3A_389, %or3A_410 : vector<1024x128xi32>
    %min3A_413 = arith.minsi %min3A_391, %max3A_412 : vector<1024x128xi32>
    %broadcast_in_dim3A_414 = vector.shape_cast %reduce_sum3A_8 : vector<1024xf32> to vector<1024x1xf32>
    %slice3A_415 = vector.extract_strided_slice %reduce_sum3A_5 {offsets = [2304], sizes = [128], strides = [1]} : vector<4096xf32> to vector<128xf32>
    %broadcast_in_dim3A_416 = vector.shape_cast %slice3A_415 : vector<128xf32> to vector<1x128xf32>
    %add3A_417 = vector.broadcast %broadcast_in_dim3A_414 : vector<1024x1xf32> to vector<1024x128xf32>
    %add3A_418 = vector.broadcast %broadcast_in_dim3A_416 : vector<1x128xf32> to vector<1024x128xf32>
    %add3A_419 = arith.addf %add3A_417, %add3A_418 : vector<1024x128xf32>
    %slice3A_420 = vector.extract_strided_slice %add3A_20 {offsets = [0, 2304], sizes = [1024, 128], strides = [1, 1]} : vector<1024x4096xf32> to vector<1024x128xf32>
    %mul3A_421 = arith.constant 2.000000e+00 : f32
    %mul3A_422 = vector.broadcast %mul3A_421 : f32 to vector<1024x128xf32>
    %mul3A_423 = arith.mulf %mul3A_422, %slice3A_420 : vector<1024x128xf32>
    %sub3A_424 = arith.subf %add3A_419, %mul3A_423 : vector<1024x128xf32>
    %bitcast_convert_type3A_425 = tpu.bitcast %sub3A_424 : vector<1024x128xf32> -> vector<1024x128xi32>
    %and3A_426 = arith.constant -4096 : i32
    %and3A_427 = vector.broadcast %and3A_426 : i32 to vector<1024x128xi32>
    %and3A_428 = arith.andi %bitcast_convert_type3A_425, %and3A_427 : vector<1024x128xi32>
    %add3A_429 = arith.constant 2304 : i32
    %add3A_430 = vector.broadcast %add3A_429 : i32 to vector<1024x128xi32>
    %add3A_431 = arith.addi %iota3A, %add3A_430 : vector<1024x128xi32>
    %or3A_432 = arith.ori %and3A_428, %add3A_431 : vector<1024x128xi32>
    %min3A_433 = arith.minsi %min3A_411, %or3A_432 : vector<1024x128xi32>
    %max3A_434 = arith.maxsi %min3A_411, %or3A_432 : vector<1024x128xi32>
    %min3A_435 = arith.minsi %min3A_413, %max3A_434 : vector<1024x128xi32>
    %broadcast_in_dim3A_436 = vector.shape_cast %reduce_sum3A_8 : vector<1024xf32> to vector<1024x1xf32>
    %slice3A_437 = vector.extract_strided_slice %reduce_sum3A_5 {offsets = [2432], sizes = [128], strides = [1]} : vector<4096xf32> to vector<128xf32>
    %broadcast_in_dim3A_438 = vector.shape_cast %slice3A_437 : vector<128xf32> to vector<1x128xf32>
    %add3A_439 = vector.broadcast %broadcast_in_dim3A_436 : vector<1024x1xf32> to vector<1024x128xf32>
    %add3A_440 = vector.broadcast %broadcast_in_dim3A_438 : vector<1x128xf32> to vector<1024x128xf32>
    %add3A_441 = arith.addf %add3A_439, %add3A_440 : vector<1024x128xf32>
    %slice3A_442 = vector.extract_strided_slice %add3A_20 {offsets = [0, 2432], sizes = [1024, 128], strides = [1, 1]} : vector<1024x4096xf32> to vector<1024x128xf32>
    %mul3A_443 = arith.constant 2.000000e+00 : f32
    %mul3A_444 = vector.broadcast %mul3A_443 : f32 to vector<1024x128xf32>
    %mul3A_445 = arith.mulf %mul3A_444, %slice3A_442 : vector<1024x128xf32>
    %sub3A_446 = arith.subf %add3A_441, %mul3A_445 : vector<1024x128xf32>
    %bitcast_convert_type3A_447 = tpu.bitcast %sub3A_446 : vector<1024x128xf32> -> vector<1024x128xi32>
    %and3A_448 = arith.constant -4096 : i32
    %and3A_449 = vector.broadcast %and3A_448 : i32 to vector<1024x128xi32>
    %and3A_450 = arith.andi %bitcast_convert_type3A_447, %and3A_449 : vector<1024x128xi32>
    %add3A_451 = arith.constant 2432 : i32
    %add3A_452 = vector.broadcast %add3A_451 : i32 to vector<1024x128xi32>
    %add3A_453 = arith.addi %iota3A, %add3A_452 : vector<1024x128xi32>
    %or3A_454 = arith.ori %and3A_450, %add3A_453 : vector<1024x128xi32>
    %min3A_455 = arith.minsi %min3A_433, %or3A_454 : vector<1024x128xi32>
    %max3A_456 = arith.maxsi %min3A_433, %or3A_454 : vector<1024x128xi32>
    %min3A_457 = arith.minsi %min3A_435, %max3A_456 : vector<1024x128xi32>
    %broadcast_in_dim3A_458 = vector.shape_cast %reduce_sum3A_8 : vector<1024xf32> to vector<1024x1xf32>
    %slice3A_459 = vector.extract_strided_slice %reduce_sum3A_5 {offsets = [2560], sizes = [128], strides = [1]} : vector<4096xf32> to vector<128xf32>
    %broadcast_in_dim3A_460 = vector.shape_cast %slice3A_459 : vector<128xf32> to vector<1x128xf32>
    %add3A_461 = vector.broadcast %broadcast_in_dim3A_458 : vector<1024x1xf32> to vector<1024x128xf32>
    %add3A_462 = vector.broadcast %broadcast_in_dim3A_460 : vector<1x128xf32> to vector<1024x128xf32>
    %add3A_463 = arith.addf %add3A_461, %add3A_462 : vector<1024x128xf32>
    %slice3A_464 = vector.extract_strided_slice %add3A_20 {offsets = [0, 2560], sizes = [1024, 128], strides = [1, 1]} : vector<1024x4096xf32> to vector<1024x128xf32>
    %mul3A_465 = arith.constant 2.000000e+00 : f32
    %mul3A_466 = vector.broadcast %mul3A_465 : f32 to vector<1024x128xf32>
    %mul3A_467 = arith.mulf %mul3A_466, %slice3A_464 : vector<1024x128xf32>
    %sub3A_468 = arith.subf %add3A_463, %mul3A_467 : vector<1024x128xf32>
    %bitcast_convert_type3A_469 = tpu.bitcast %sub3A_468 : vector<1024x128xf32> -> vector<1024x128xi32>
    %and3A_470 = arith.constant -4096 : i32
    %and3A_471 = vector.broadcast %and3A_470 : i32 to vector<1024x128xi32>
    %and3A_472 = arith.andi %bitcast_convert_type3A_469, %and3A_471 : vector<1024x128xi32>
    %add3A_473 = arith.constant 2560 : i32
    %add3A_474 = vector.broadcast %add3A_473 : i32 to vector<1024x128xi32>
    %add3A_475 = arith.addi %iota3A, %add3A_474 : vector<1024x128xi32>
    %or3A_476 = arith.ori %and3A_472, %add3A_475 : vector<1024x128xi32>
    %min3A_477 = arith.minsi %min3A_455, %or3A_476 : vector<1024x128xi32>
    %max3A_478 = arith.maxsi %min3A_455, %or3A_476 : vector<1024x128xi32>
    %min3A_479 = arith.minsi %min3A_457, %max3A_478 : vector<1024x128xi32>
    %broadcast_in_dim3A_480 = vector.shape_cast %reduce_sum3A_8 : vector<1024xf32> to vector<1024x1xf32>
    %slice3A_481 = vector.extract_strided_slice %reduce_sum3A_5 {offsets = [2688], sizes = [128], strides = [1]} : vector<4096xf32> to vector<128xf32>
    %broadcast_in_dim3A_482 = vector.shape_cast %slice3A_481 : vector<128xf32> to vector<1x128xf32>
    %add3A_483 = vector.broadcast %broadcast_in_dim3A_480 : vector<1024x1xf32> to vector<1024x128xf32>
    %add3A_484 = vector.broadcast %broadcast_in_dim3A_482 : vector<1x128xf32> to vector<1024x128xf32>
    %add3A_485 = arith.addf %add3A_483, %add3A_484 : vector<1024x128xf32>
    %slice3A_486 = vector.extract_strided_slice %add3A_20 {offsets = [0, 2688], sizes = [1024, 128], strides = [1, 1]} : vector<1024x4096xf32> to vector<1024x128xf32>
    %mul3A_487 = arith.constant 2.000000e+00 : f32
    %mul3A_488 = vector.broadcast %mul3A_487 : f32 to vector<1024x128xf32>
    %mul3A_489 = arith.mulf %mul3A_488, %slice3A_486 : vector<1024x128xf32>
    %sub3A_490 = arith.subf %add3A_485, %mul3A_489 : vector<1024x128xf32>
    %bitcast_convert_type3A_491 = tpu.bitcast %sub3A_490 : vector<1024x128xf32> -> vector<1024x128xi32>
    %and3A_492 = arith.constant -4096 : i32
    %and3A_493 = vector.broadcast %and3A_492 : i32 to vector<1024x128xi32>
    %and3A_494 = arith.andi %bitcast_convert_type3A_491, %and3A_493 : vector<1024x128xi32>
    %add3A_495 = arith.constant 2688 : i32
    %add3A_496 = vector.broadcast %add3A_495 : i32 to vector<1024x128xi32>
    %add3A_497 = arith.addi %iota3A, %add3A_496 : vector<1024x128xi32>
    %or3A_498 = arith.ori %and3A_494, %add3A_497 : vector<1024x128xi32>
    %min3A_499 = arith.minsi %min3A_477, %or3A_498 : vector<1024x128xi32>
    %max3A_500 = arith.maxsi %min3A_477, %or3A_498 : vector<1024x128xi32>
    %min3A_501 = arith.minsi %min3A_479, %max3A_500 : vector<1024x128xi32>
    %broadcast_in_dim3A_502 = vector.shape_cast %reduce_sum3A_8 : vector<1024xf32> to vector<1024x1xf32>
    %slice3A_503 = vector.extract_strided_slice %reduce_sum3A_5 {offsets = [2816], sizes = [128], strides = [1]} : vector<4096xf32> to vector<128xf32>
    %broadcast_in_dim3A_504 = vector.shape_cast %slice3A_503 : vector<128xf32> to vector<1x128xf32>
    %add3A_505 = vector.broadcast %broadcast_in_dim3A_502 : vector<1024x1xf32> to vector<1024x128xf32>
    %add3A_506 = vector.broadcast %broadcast_in_dim3A_504 : vector<1x128xf32> to vector<1024x128xf32>
    %add3A_507 = arith.addf %add3A_505, %add3A_506 : vector<1024x128xf32>
    %slice3A_508 = vector.extract_strided_slice %add3A_20 {offsets = [0, 2816], sizes = [1024, 128], strides = [1, 1]} : vector<1024x4096xf32> to vector<1024x128xf32>
    %mul3A_509 = arith.constant 2.000000e+00 : f32
    %mul3A_510 = vector.broadcast %mul3A_509 : f32 to vector<1024x128xf32>
    %mul3A_511 = arith.mulf %mul3A_510, %slice3A_508 : vector<1024x128xf32>
    %sub3A_512 = arith.subf %add3A_507, %mul3A_511 : vector<1024x128xf32>
    %bitcast_convert_type3A_513 = tpu.bitcast %sub3A_512 : vector<1024x128xf32> -> vector<1024x128xi32>
    %and3A_514 = arith.constant -4096 : i32
    %and3A_515 = vector.broadcast %and3A_514 : i32 to vector<1024x128xi32>
    %and3A_516 = arith.andi %bitcast_convert_type3A_513, %and3A_515 : vector<1024x128xi32>
    %add3A_517 = arith.constant 2816 : i32
    %add3A_518 = vector.broadcast %add3A_517 : i32 to vector<1024x128xi32>
    %add3A_519 = arith.addi %iota3A, %add3A_518 : vector<1024x128xi32>
    %or3A_520 = arith.ori %and3A_516, %add3A_519 : vector<1024x128xi32>
    %min3A_521 = arith.minsi %min3A_499, %or3A_520 : vector<1024x128xi32>
    %max3A_522 = arith.maxsi %min3A_499, %or3A_520 : vector<1024x128xi32>
    %min3A_523 = arith.minsi %min3A_501, %max3A_522 : vector<1024x128xi32>
    %broadcast_in_dim3A_524 = vector.shape_cast %reduce_sum3A_8 : vector<1024xf32> to vector<1024x1xf32>
    %slice3A_525 = vector.extract_strided_slice %reduce_sum3A_5 {offsets = [2944], sizes = [128], strides = [1]} : vector<4096xf32> to vector<128xf32>
    %broadcast_in_dim3A_526 = vector.shape_cast %slice3A_525 : vector<128xf32> to vector<1x128xf32>
    %add3A_527 = vector.broadcast %broadcast_in_dim3A_524 : vector<1024x1xf32> to vector<1024x128xf32>
    %add3A_528 = vector.broadcast %broadcast_in_dim3A_526 : vector<1x128xf32> to vector<1024x128xf32>
    %add3A_529 = arith.addf %add3A_527, %add3A_528 : vector<1024x128xf32>
    %slice3A_530 = vector.extract_strided_slice %add3A_20 {offsets = [0, 2944], sizes = [1024, 128], strides = [1, 1]} : vector<1024x4096xf32> to vector<1024x128xf32>
    %mul3A_531 = arith.constant 2.000000e+00 : f32
    %mul3A_532 = vector.broadcast %mul3A_531 : f32 to vector<1024x128xf32>
    %mul3A_533 = arith.mulf %mul3A_532, %slice3A_530 : vector<1024x128xf32>
    %sub3A_534 = arith.subf %add3A_529, %mul3A_533 : vector<1024x128xf32>
    %bitcast_convert_type3A_535 = tpu.bitcast %sub3A_534 : vector<1024x128xf32> -> vector<1024x128xi32>
    %and3A_536 = arith.constant -4096 : i32
    %and3A_537 = vector.broadcast %and3A_536 : i32 to vector<1024x128xi32>
    %and3A_538 = arith.andi %bitcast_convert_type3A_535, %and3A_537 : vector<1024x128xi32>
    %add3A_539 = arith.constant 2944 : i32
    %add3A_540 = vector.broadcast %add3A_539 : i32 to vector<1024x128xi32>
    %add3A_541 = arith.addi %iota3A, %add3A_540 : vector<1024x128xi32>
    %or3A_542 = arith.ori %and3A_538, %add3A_541 : vector<1024x128xi32>
    %min3A_543 = arith.minsi %min3A_521, %or3A_542 : vector<1024x128xi32>
    %max3A_544 = arith.maxsi %min3A_521, %or3A_542 : vector<1024x128xi32>
    %min3A_545 = arith.minsi %min3A_523, %max3A_544 : vector<1024x128xi32>
    %broadcast_in_dim3A_546 = vector.shape_cast %reduce_sum3A_8 : vector<1024xf32> to vector<1024x1xf32>
    %slice3A_547 = vector.extract_strided_slice %reduce_sum3A_5 {offsets = [3072], sizes = [128], strides = [1]} : vector<4096xf32> to vector<128xf32>
    %broadcast_in_dim3A_548 = vector.shape_cast %slice3A_547 : vector<128xf32> to vector<1x128xf32>
    %add3A_549 = vector.broadcast %broadcast_in_dim3A_546 : vector<1024x1xf32> to vector<1024x128xf32>
    %add3A_550 = vector.broadcast %broadcast_in_dim3A_548 : vector<1x128xf32> to vector<1024x128xf32>
    %add3A_551 = arith.addf %add3A_549, %add3A_550 : vector<1024x128xf32>
    %slice3A_552 = vector.extract_strided_slice %add3A_20 {offsets = [0, 3072], sizes = [1024, 128], strides = [1, 1]} : vector<1024x4096xf32> to vector<1024x128xf32>
    %mul3A_553 = arith.constant 2.000000e+00 : f32
    %mul3A_554 = vector.broadcast %mul3A_553 : f32 to vector<1024x128xf32>
    %mul3A_555 = arith.mulf %mul3A_554, %slice3A_552 : vector<1024x128xf32>
    %sub3A_556 = arith.subf %add3A_551, %mul3A_555 : vector<1024x128xf32>
    %bitcast_convert_type3A_557 = tpu.bitcast %sub3A_556 : vector<1024x128xf32> -> vector<1024x128xi32>
    %and3A_558 = arith.constant -4096 : i32
    %and3A_559 = vector.broadcast %and3A_558 : i32 to vector<1024x128xi32>
    %and3A_560 = arith.andi %bitcast_convert_type3A_557, %and3A_559 : vector<1024x128xi32>
    %add3A_561 = arith.constant 3072 : i32
    %add3A_562 = vector.broadcast %add3A_561 : i32 to vector<1024x128xi32>
    %add3A_563 = arith.addi %iota3A, %add3A_562 : vector<1024x128xi32>
    %or3A_564 = arith.ori %and3A_560, %add3A_563 : vector<1024x128xi32>
    %min3A_565 = arith.minsi %min3A_543, %or3A_564 : vector<1024x128xi32>
    %max3A_566 = arith.maxsi %min3A_543, %or3A_564 : vector<1024x128xi32>
    %min3A_567 = arith.minsi %min3A_545, %max3A_566 : vector<1024x128xi32>
    %broadcast_in_dim3A_568 = vector.shape_cast %reduce_sum3A_8 : vector<1024xf32> to vector<1024x1xf32>
    %slice3A_569 = vector.extract_strided_slice %reduce_sum3A_5 {offsets = [3200], sizes = [128], strides = [1]} : vector<4096xf32> to vector<128xf32>
    %broadcast_in_dim3A_570 = vector.shape_cast %slice3A_569 : vector<128xf32> to vector<1x128xf32>
    %add3A_571 = vector.broadcast %broadcast_in_dim3A_568 : vector<1024x1xf32> to vector<1024x128xf32>
    %add3A_572 = vector.broadcast %broadcast_in_dim3A_570 : vector<1x128xf32> to vector<1024x128xf32>
    %add3A_573 = arith.addf %add3A_571, %add3A_572 : vector<1024x128xf32>
    %slice3A_574 = vector.extract_strided_slice %add3A_20 {offsets = [0, 3200], sizes = [1024, 128], strides = [1, 1]} : vector<1024x4096xf32> to vector<1024x128xf32>
    %mul3A_575 = arith.constant 2.000000e+00 : f32
    %mul3A_576 = vector.broadcast %mul3A_575 : f32 to vector<1024x128xf32>
    %mul3A_577 = arith.mulf %mul3A_576, %slice3A_574 : vector<1024x128xf32>
    %sub3A_578 = arith.subf %add3A_573, %mul3A_577 : vector<1024x128xf32>
    %bitcast_convert_type3A_579 = tpu.bitcast %sub3A_578 : vector<1024x128xf32> -> vector<1024x128xi32>
    %and3A_580 = arith.constant -4096 : i32
    %and3A_581 = vector.broadcast %and3A_580 : i32 to vector<1024x128xi32>
    %and3A_582 = arith.andi %bitcast_convert_type3A_579, %and3A_581 : vector<1024x128xi32>
    %add3A_583 = arith.constant 3200 : i32
    %add3A_584 = vector.broadcast %add3A_583 : i32 to vector<1024x128xi32>
    %add3A_585 = arith.addi %iota3A, %add3A_584 : vector<1024x128xi32>
    %or3A_586 = arith.ori %and3A_582, %add3A_585 : vector<1024x128xi32>
    %min3A_587 = arith.minsi %min3A_565, %or3A_586 : vector<1024x128xi32>
    %max3A_588 = arith.maxsi %min3A_565, %or3A_586 : vector<1024x128xi32>
    %min3A_589 = arith.minsi %min3A_567, %max3A_588 : vector<1024x128xi32>
    %broadcast_in_dim3A_590 = vector.shape_cast %reduce_sum3A_8 : vector<1024xf32> to vector<1024x1xf32>
    %slice3A_591 = vector.extract_strided_slice %reduce_sum3A_5 {offsets = [3328], sizes = [128], strides = [1]} : vector<4096xf32> to vector<128xf32>
    %broadcast_in_dim3A_592 = vector.shape_cast %slice3A_591 : vector<128xf32> to vector<1x128xf32>
    %add3A_593 = vector.broadcast %broadcast_in_dim3A_590 : vector<1024x1xf32> to vector<1024x128xf32>
    %add3A_594 = vector.broadcast %broadcast_in_dim3A_592 : vector<1x128xf32> to vector<1024x128xf32>
    %add3A_595 = arith.addf %add3A_593, %add3A_594 : vector<1024x128xf32>
    %slice3A_596 = vector.extract_strided_slice %add3A_20 {offsets = [0, 3328], sizes = [1024, 128], strides = [1, 1]} : vector<1024x4096xf32> to vector<1024x128xf32>
    %mul3A_597 = arith.constant 2.000000e+00 : f32
    %mul3A_598 = vector.broadcast %mul3A_597 : f32 to vector<1024x128xf32>
    %mul3A_599 = arith.mulf %mul3A_598, %slice3A_596 : vector<1024x128xf32>
    %sub3A_600 = arith.subf %add3A_595, %mul3A_599 : vector<1024x128xf32>
    %bitcast_convert_type3A_601 = tpu.bitcast %sub3A_600 : vector<1024x128xf32> -> vector<1024x128xi32>
    %and3A_602 = arith.constant -4096 : i32
    %and3A_603 = vector.broadcast %and3A_602 : i32 to vector<1024x128xi32>
    %and3A_604 = arith.andi %bitcast_convert_type3A_601, %and3A_603 : vector<1024x128xi32>
    %add3A_605 = arith.constant 3328 : i32
    %add3A_606 = vector.broadcast %add3A_605 : i32 to vector<1024x128xi32>
    %add3A_607 = arith.addi %iota3A, %add3A_606 : vector<1024x128xi32>
    %or3A_608 = arith.ori %and3A_604, %add3A_607 : vector<1024x128xi32>
    %min3A_609 = arith.minsi %min3A_587, %or3A_608 : vector<1024x128xi32>
    %max3A_610 = arith.maxsi %min3A_587, %or3A_608 : vector<1024x128xi32>
    %min3A_611 = arith.minsi %min3A_589, %max3A_610 : vector<1024x128xi32>
    %broadcast_in_dim3A_612 = vector.shape_cast %reduce_sum3A_8 : vector<1024xf32> to vector<1024x1xf32>
    %slice3A_613 = vector.extract_strided_slice %reduce_sum3A_5 {offsets = [3456], sizes = [128], strides = [1]} : vector<4096xf32> to vector<128xf32>
    %broadcast_in_dim3A_614 = vector.shape_cast %slice3A_613 : vector<128xf32> to vector<1x128xf32>
    %add3A_615 = vector.broadcast %broadcast_in_dim3A_612 : vector<1024x1xf32> to vector<1024x128xf32>
    %add3A_616 = vector.broadcast %broadcast_in_dim3A_614 : vector<1x128xf32> to vector<1024x128xf32>
    %add3A_617 = arith.addf %add3A_615, %add3A_616 : vector<1024x128xf32>
    %slice3A_618 = vector.extract_strided_slice %add3A_20 {offsets = [0, 3456], sizes = [1024, 128], strides = [1, 1]} : vector<1024x4096xf32> to vector<1024x128xf32>
    %mul3A_619 = arith.constant 2.000000e+00 : f32
    %mul3A_620 = vector.broadcast %mul3A_619 : f32 to vector<1024x128xf32>
    %mul3A_621 = arith.mulf %mul3A_620, %slice3A_618 : vector<1024x128xf32>
    %sub3A_622 = arith.subf %add3A_617, %mul3A_621 : vector<1024x128xf32>
    %bitcast_convert_type3A_623 = tpu.bitcast %sub3A_622 : vector<1024x128xf32> -> vector<1024x128xi32>
    %and3A_624 = arith.constant -4096 : i32
    %and3A_625 = vector.broadcast %and3A_624 : i32 to vector<1024x128xi32>
    %and3A_626 = arith.andi %bitcast_convert_type3A_623, %and3A_625 : vector<1024x128xi32>
    %add3A_627 = arith.constant 3456 : i32
    %add3A_628 = vector.broadcast %add3A_627 : i32 to vector<1024x128xi32>
    %add3A_629 = arith.addi %iota3A, %add3A_628 : vector<1024x128xi32>
    %or3A_630 = arith.ori %and3A_626, %add3A_629 : vector<1024x128xi32>
    %min3A_631 = arith.minsi %min3A_609, %or3A_630 : vector<1024x128xi32>
    %max3A_632 = arith.maxsi %min3A_609, %or3A_630 : vector<1024x128xi32>
    %min3A_633 = arith.minsi %min3A_611, %max3A_632 : vector<1024x128xi32>
    %broadcast_in_dim3A_634 = vector.shape_cast %reduce_sum3A_8 : vector<1024xf32> to vector<1024x1xf32>
    %slice3A_635 = vector.extract_strided_slice %reduce_sum3A_5 {offsets = [3584], sizes = [128], strides = [1]} : vector<4096xf32> to vector<128xf32>
    %broadcast_in_dim3A_636 = vector.shape_cast %slice3A_635 : vector<128xf32> to vector<1x128xf32>
    %add3A_637 = vector.broadcast %broadcast_in_dim3A_634 : vector<1024x1xf32> to vector<1024x128xf32>
    %add3A_638 = vector.broadcast %broadcast_in_dim3A_636 : vector<1x128xf32> to vector<1024x128xf32>
    %add3A_639 = arith.addf %add3A_637, %add3A_638 : vector<1024x128xf32>
    %slice3A_640 = vector.extract_strided_slice %add3A_20 {offsets = [0, 3584], sizes = [1024, 128], strides = [1, 1]} : vector<1024x4096xf32> to vector<1024x128xf32>
    %mul3A_641 = arith.constant 2.000000e+00 : f32
    %mul3A_642 = vector.broadcast %mul3A_641 : f32 to vector<1024x128xf32>
    %mul3A_643 = arith.mulf %mul3A_642, %slice3A_640 : vector<1024x128xf32>
    %sub3A_644 = arith.subf %add3A_639, %mul3A_643 : vector<1024x128xf32>
    %bitcast_convert_type3A_645 = tpu.bitcast %sub3A_644 : vector<1024x128xf32> -> vector<1024x128xi32>
    %and3A_646 = arith.constant -4096 : i32
    %and3A_647 = vector.broadcast %and3A_646 : i32 to vector<1024x128xi32>
    %and3A_648 = arith.andi %bitcast_convert_type3A_645, %and3A_647 : vector<1024x128xi32>
    %add3A_649 = arith.constant 3584 : i32
    %add3A_650 = vector.broadcast %add3A_649 : i32 to vector<1024x128xi32>
    %add3A_651 = arith.addi %iota3A, %add3A_650 : vector<1024x128xi32>
    %or3A_652 = arith.ori %and3A_648, %add3A_651 : vector<1024x128xi32>
    %min3A_653 = arith.minsi %min3A_631, %or3A_652 : vector<1024x128xi32>
    %max3A_654 = arith.maxsi %min3A_631, %or3A_652 : vector<1024x128xi32>
    %min3A_655 = arith.minsi %min3A_633, %max3A_654 : vector<1024x128xi32>
    %broadcast_in_dim3A_656 = vector.shape_cast %reduce_sum3A_8 : vector<1024xf32> to vector<1024x1xf32>
    %slice3A_657 = vector.extract_strided_slice %reduce_sum3A_5 {offsets = [3712], sizes = [128], strides = [1]} : vector<4096xf32> to vector<128xf32>
    %broadcast_in_dim3A_658 = vector.shape_cast %slice3A_657 : vector<128xf32> to vector<1x128xf32>
    %add3A_659 = vector.broadcast %broadcast_in_dim3A_656 : vector<1024x1xf32> to vector<1024x128xf32>
    %add3A_660 = vector.broadcast %broadcast_in_dim3A_658 : vector<1x128xf32> to vector<1024x128xf32>
    %add3A_661 = arith.addf %add3A_659, %add3A_660 : vector<1024x128xf32>
    %slice3A_662 = vector.extract_strided_slice %add3A_20 {offsets = [0, 3712], sizes = [1024, 128], strides = [1, 1]} : vector<1024x4096xf32> to vector<1024x128xf32>
    %mul3A_663 = arith.constant 2.000000e+00 : f32
    %mul3A_664 = vector.broadcast %mul3A_663 : f32 to vector<1024x128xf32>
    %mul3A_665 = arith.mulf %mul3A_664, %slice3A_662 : vector<1024x128xf32>
    %sub3A_666 = arith.subf %add3A_661, %mul3A_665 : vector<1024x128xf32>
    %bitcast_convert_type3A_667 = tpu.bitcast %sub3A_666 : vector<1024x128xf32> -> vector<1024x128xi32>
    %and3A_668 = arith.constant -4096 : i32
    %and3A_669 = vector.broadcast %and3A_668 : i32 to vector<1024x128xi32>
    %and3A_670 = arith.andi %bitcast_convert_type3A_667, %and3A_669 : vector<1024x128xi32>
    %add3A_671 = arith.constant 3712 : i32
    %add3A_672 = vector.broadcast %add3A_671 : i32 to vector<1024x128xi32>
    %add3A_673 = arith.addi %iota3A, %add3A_672 : vector<1024x128xi32>
    %or3A_674 = arith.ori %and3A_670, %add3A_673 : vector<1024x128xi32>
    %min3A_675 = arith.minsi %min3A_653, %or3A_674 : vector<1024x128xi32>
    %max3A_676 = arith.maxsi %min3A_653, %or3A_674 : vector<1024x128xi32>
    %min3A_677 = arith.minsi %min3A_655, %max3A_676 : vector<1024x128xi32>
    %broadcast_in_dim3A_678 = vector.shape_cast %reduce_sum3A_8 : vector<1024xf32> to vector<1024x1xf32>
    %slice3A_679 = vector.extract_strided_slice %reduce_sum3A_5 {offsets = [3840], sizes = [128], strides = [1]} : vector<4096xf32> to vector<128xf32>
    %broadcast_in_dim3A_680 = vector.shape_cast %slice3A_679 : vector<128xf32> to vector<1x128xf32>
    %add3A_681 = vector.broadcast %broadcast_in_dim3A_678 : vector<1024x1xf32> to vector<1024x128xf32>
    %add3A_682 = vector.broadcast %broadcast_in_dim3A_680 : vector<1x128xf32> to vector<1024x128xf32>
    %add3A_683 = arith.addf %add3A_681, %add3A_682 : vector<1024x128xf32>
    %slice3A_684 = vector.extract_strided_slice %add3A_20 {offsets = [0, 3840], sizes = [1024, 128], strides = [1, 1]} : vector<1024x4096xf32> to vector<1024x128xf32>
    %mul3A_685 = arith.constant 2.000000e+00 : f32
    %mul3A_686 = vector.broadcast %mul3A_685 : f32 to vector<1024x128xf32>
    %mul3A_687 = arith.mulf %mul3A_686, %slice3A_684 : vector<1024x128xf32>
    %sub3A_688 = arith.subf %add3A_683, %mul3A_687 : vector<1024x128xf32>
    %bitcast_convert_type3A_689 = tpu.bitcast %sub3A_688 : vector<1024x128xf32> -> vector<1024x128xi32>
    %and3A_690 = arith.constant -4096 : i32
    %and3A_691 = vector.broadcast %and3A_690 : i32 to vector<1024x128xi32>
    %and3A_692 = arith.andi %bitcast_convert_type3A_689, %and3A_691 : vector<1024x128xi32>
    %add3A_693 = arith.constant 3840 : i32
    %add3A_694 = vector.broadcast %add3A_693 : i32 to vector<1024x128xi32>
    %add3A_695 = arith.addi %iota3A, %add3A_694 : vector<1024x128xi32>
    %or3A_696 = arith.ori %and3A_692, %add3A_695 : vector<1024x128xi32>
    %min3A_697 = arith.minsi %min3A_675, %or3A_696 : vector<1024x128xi32>
    %max3A_698 = arith.maxsi %min3A_675, %or3A_696 : vector<1024x128xi32>
    %min3A_699 = arith.minsi %min3A_677, %max3A_698 : vector<1024x128xi32>
    %broadcast_in_dim3A_700 = vector.shape_cast %reduce_sum3A_8 : vector<1024xf32> to vector<1024x1xf32>
    %slice3A_701 = vector.extract_strided_slice %reduce_sum3A_5 {offsets = [3968], sizes = [128], strides = [1]} : vector<4096xf32> to vector<128xf32>
    %broadcast_in_dim3A_702 = vector.shape_cast %slice3A_701 : vector<128xf32> to vector<1x128xf32>
    %add3A_703 = vector.broadcast %broadcast_in_dim3A_700 : vector<1024x1xf32> to vector<1024x128xf32>
    %add3A_704 = vector.broadcast %broadcast_in_dim3A_702 : vector<1x128xf32> to vector<1024x128xf32>
    %add3A_705 = arith.addf %add3A_703, %add3A_704 : vector<1024x128xf32>
    %slice3A_706 = vector.extract_strided_slice %add3A_20 {offsets = [0, 3968], sizes = [1024, 128], strides = [1, 1]} : vector<1024x4096xf32> to vector<1024x128xf32>
    %mul3A_707 = arith.constant 2.000000e+00 : f32
    %mul3A_708 = vector.broadcast %mul3A_707 : f32 to vector<1024x128xf32>
    %mul3A_709 = arith.mulf %mul3A_708, %slice3A_706 : vector<1024x128xf32>
    %sub3A_710 = arith.subf %add3A_705, %mul3A_709 : vector<1024x128xf32>
    %bitcast_convert_type3A_711 = tpu.bitcast %sub3A_710 : vector<1024x128xf32> -> vector<1024x128xi32>
    %and3A_712 = arith.constant -4096 : i32
    %and3A_713 = vector.broadcast %and3A_712 : i32 to vector<1024x128xi32>
    %and3A_714 = arith.andi %bitcast_convert_type3A_711, %and3A_713 : vector<1024x128xi32>
    %add3A_715 = arith.constant 3968 : i32
    %add3A_716 = vector.broadcast %add3A_715 : i32 to vector<1024x128xi32>
    %add3A_717 = arith.addi %iota3A, %add3A_716 : vector<1024x128xi32>
    %or3A_718 = arith.ori %and3A_714, %add3A_717 : vector<1024x128xi32>
    %min3A_719 = arith.minsi %min3A_697, %or3A_718 : vector<1024x128xi32>
    %max3A_720 = arith.maxsi %min3A_697, %or3A_718 : vector<1024x128xi32>
    %min3A_721 = arith.minsi %min3A_699, %max3A_720 : vector<1024x128xi32>
    %min3A_722 = arith.minsi %min3A_719, %min3A_721 : vector<1024x128xi32>
    %reduce_min3A = arith.constant dense<2147483647> : vector<1024xi32>
    %reduce_min3A_723 = vector.multi_reduction <minsi>, %min3A_722, %reduce_min3A [1] : vector<1024x128xi32> to vector<1024xi32>
    %broadcast_in_dim3A_724 = vector.shape_cast %reduce_min3A_723 : vector<1024xi32> to vector<1024x1xi32>
    %gt3A = vector.broadcast %broadcast_in_dim3A_724 : vector<1024x1xi32> to vector<1024x128xi32>
    %gt3A_725 = arith.cmpi sgt, %min3A_719, %gt3A : vector<1024x128xi32>
    %jit3A = arith.constant 2147483647 : i32
    %broadcast_in_dim3A_726 = vector.broadcast %jit3A : i32 to vector<1024x128xi32>
    %select_n3A = arith.select %gt3A_725, %min3A_719, %broadcast_in_dim3A_726 : vector<1024x128xi1>, vector<1024x128xi32>
    %broadcast_in_dim3A_727 = vector.shape_cast %reduce_min3A_723 : vector<1024xi32> to vector<1024x1xi32>
    %gt3A_728 = vector.broadcast %broadcast_in_dim3A_727 : vector<1024x1xi32> to vector<1024x128xi32>
    %gt3A_729 = arith.cmpi sgt, %min3A_721, %gt3A_728 : vector<1024x128xi32>
    %jit3A_730 = arith.constant 2147483647 : i32
    %broadcast_in_dim3A_731 = vector.broadcast %jit3A_730 : i32 to vector<1024x128xi32>
    %select_n3A_732 = arith.select %gt3A_729, %min3A_721, %broadcast_in_dim3A_731 : vector<1024x128xi1>, vector<1024x128xi32>
    %min3A_733 = arith.minsi %select_n3A, %select_n3A_732 : vector<1024x128xi32>
    %reduce_min3A_734 = arith.constant dense<2147483647> : vector<1024xi32>
    %reduce_min3A_735 = vector.multi_reduction <minsi>, %min3A_733, %reduce_min3A_734 [1] : vector<1024x128xi32> to vector<1024xi32>
    %and3A_736 = arith.constant -4096 : i32
    %and3A_737 = vector.broadcast %and3A_736 : i32 to vector<1024xi32>
    %and3A_738 = arith.andi %reduce_min3A_735, %and3A_737 : vector<1024xi32>
    %bitcast_convert_type3A_739 = tpu.bitcast %and3A_738 : vector<1024xi32> -> vector<1024xf32>
    %and3A_740 = arith.constant 4095 : i32
    %and3A_741 = vector.broadcast %and3A_740 : i32 to vector<1024xi32>
    %and3A_742 = arith.andi %reduce_min3A_735, %and3A_741 : vector<1024xi32>
    %broadcast_in_dim3A_743 = vector.shape_cast %and3A_742 : vector<1024xi32> to vector<1024x1xi32>
    %mul3A_744 = arith.constant -5.000000e-01 : f32
    %mul3A_745 = vector.broadcast %mul3A_744 : f32 to vector<1024xf32>
    %mul3A_746 = arith.mulf %mul3A_745, %bitcast_convert_type3A_739 : vector<1024xf32>
    %exp3A = math.exp %mul3A_746 : vector<1024xf32>
    %mul3A_747 = arith.mulf %exp3A, %bitcast_convert_type3A_739 : vector<1024xf32>
    %broadcast_in_dim3A_748 = vector.shape_cast %mul3A_747 : vector<1024xf32> to vector<1024x1xf32>
    %broadcast_in_dim3A_749 = vector.shape_cast %reduce_min3A_735 : vector<1024xi32> to vector<1024x1xi32>
    %gt3A_750 = vector.broadcast %broadcast_in_dim3A_749 : vector<1024x1xi32> to vector<1024x128xi32>
    %gt3A_751 = arith.cmpi sgt, %min3A_719, %gt3A_750 : vector<1024x128xi32>
    %jit3A_752 = arith.constant 2147483647 : i32
    %broadcast_in_dim3A_753 = vector.broadcast %jit3A_752 : i32 to vector<1024x128xi32>
    %select_n3A_754 = arith.select %gt3A_751, %min3A_719, %broadcast_in_dim3A_753 : vector<1024x128xi1>, vector<1024x128xi32>
    %broadcast_in_dim3A_755 = vector.shape_cast %reduce_min3A_735 : vector<1024xi32> to vector<1024x1xi32>
    %gt3A_756 = vector.broadcast %broadcast_in_dim3A_755 : vector<1024x1xi32> to vector<1024x128xi32>
    %gt3A_757 = arith.cmpi sgt, %min3A_721, %gt3A_756 : vector<1024x128xi32>
    %jit3A_758 = arith.constant 2147483647 : i32
    %broadcast_in_dim3A_759 = vector.broadcast %jit3A_758 : i32 to vector<1024x128xi32>
    %select_n3A_760 = arith.select %gt3A_757, %min3A_721, %broadcast_in_dim3A_759 : vector<1024x128xi1>, vector<1024x128xi32>
    %min3A_761 = arith.minsi %select_n3A_754, %select_n3A_760 : vector<1024x128xi32>
    %reduce_min3A_762 = arith.constant dense<2147483647> : vector<1024xi32>
    %reduce_min3A_763 = vector.multi_reduction <minsi>, %min3A_761, %reduce_min3A_762 [1] : vector<1024x128xi32> to vector<1024xi32>
    %and3A_764 = arith.constant -4096 : i32
    %and3A_765 = vector.broadcast %and3A_764 : i32 to vector<1024xi32>
    %and3A_766 = arith.andi %reduce_min3A_763, %and3A_765 : vector<1024xi32>
    %bitcast_convert_type3A_767 = tpu.bitcast %and3A_766 : vector<1024xi32> -> vector<1024xf32>
    %and3A_768 = arith.constant 4095 : i32
    %and3A_769 = vector.broadcast %and3A_768 : i32 to vector<1024xi32>
    %and3A_770 = arith.andi %reduce_min3A_763, %and3A_769 : vector<1024xi32>
    %broadcast_in_dim3A_771 = vector.shape_cast %and3A_770 : vector<1024xi32> to vector<1024x1xi32>
    %mul3A_772 = arith.constant -5.000000e-01 : f32
    %mul3A_773 = vector.broadcast %mul3A_772 : f32 to vector<1024xf32>
    %mul3A_774 = arith.mulf %mul3A_773, %bitcast_convert_type3A_767 : vector<1024xf32>
    %exp3A_775 = math.exp %mul3A_774 : vector<1024xf32>
    %mul3A_776 = arith.mulf %exp3A_775, %bitcast_convert_type3A_767 : vector<1024xf32>
    %broadcast_in_dim3A_777 = vector.shape_cast %mul3A_776 : vector<1024xf32> to vector<1024x1xf32>
    %broadcast_in_dim3A_778 = vector.shape_cast %reduce_min3A_763 : vector<1024xi32> to vector<1024x1xi32>
    %gt3A_779 = vector.broadcast %broadcast_in_dim3A_778 : vector<1024x1xi32> to vector<1024x128xi32>
    %gt3A_780 = arith.cmpi sgt, %min3A_719, %gt3A_779 : vector<1024x128xi32>
    %jit3A_781 = arith.constant 2147483647 : i32
    %broadcast_in_dim3A_782 = vector.broadcast %jit3A_781 : i32 to vector<1024x128xi32>
    %select_n3A_783 = arith.select %gt3A_780, %min3A_719, %broadcast_in_dim3A_782 : vector<1024x128xi1>, vector<1024x128xi32>
    %broadcast_in_dim3A_784 = vector.shape_cast %reduce_min3A_763 : vector<1024xi32> to vector<1024x1xi32>
    %gt3A_785 = vector.broadcast %broadcast_in_dim3A_784 : vector<1024x1xi32> to vector<1024x128xi32>
    %gt3A_786 = arith.cmpi sgt, %min3A_721, %gt3A_785 : vector<1024x128xi32>
    %jit3A_787 = arith.constant 2147483647 : i32
    %broadcast_in_dim3A_788 = vector.broadcast %jit3A_787 : i32 to vector<1024x128xi32>
    %select_n3A_789 = arith.select %gt3A_786, %min3A_721, %broadcast_in_dim3A_788 : vector<1024x128xi1>, vector<1024x128xi32>
    %min3A_790 = arith.minsi %select_n3A_783, %select_n3A_789 : vector<1024x128xi32>
    %reduce_min3A_791 = arith.constant dense<2147483647> : vector<1024xi32>
    %reduce_min3A_792 = vector.multi_reduction <minsi>, %min3A_790, %reduce_min3A_791 [1] : vector<1024x128xi32> to vector<1024xi32>
    %and3A_793 = arith.constant -4096 : i32
    %and3A_794 = vector.broadcast %and3A_793 : i32 to vector<1024xi32>
    %and3A_795 = arith.andi %reduce_min3A_792, %and3A_794 : vector<1024xi32>
    %bitcast_convert_type3A_796 = tpu.bitcast %and3A_795 : vector<1024xi32> -> vector<1024xf32>
    %and3A_797 = arith.constant 4095 : i32
    %and3A_798 = vector.broadcast %and3A_797 : i32 to vector<1024xi32>
    %and3A_799 = arith.andi %reduce_min3A_792, %and3A_798 : vector<1024xi32>
    %broadcast_in_dim3A_800 = vector.shape_cast %and3A_799 : vector<1024xi32> to vector<1024x1xi32>
    %mul3A_801 = arith.constant -5.000000e-01 : f32
    %mul3A_802 = vector.broadcast %mul3A_801 : f32 to vector<1024xf32>
    %mul3A_803 = arith.mulf %mul3A_802, %bitcast_convert_type3A_796 : vector<1024xf32>
    %exp3A_804 = math.exp %mul3A_803 : vector<1024xf32>
    %mul3A_805 = arith.mulf %exp3A_804, %bitcast_convert_type3A_796 : vector<1024xf32>
    %broadcast_in_dim3A_806 = vector.shape_cast %mul3A_805 : vector<1024xf32> to vector<1024x1xf32>
    %broadcast_in_dim3A_807 = vector.shape_cast %reduce_min3A_792 : vector<1024xi32> to vector<1024x1xi32>
    %gt3A_808 = vector.broadcast %broadcast_in_dim3A_807 : vector<1024x1xi32> to vector<1024x128xi32>
    %gt3A_809 = arith.cmpi sgt, %min3A_719, %gt3A_808 : vector<1024x128xi32>
    %jit3A_810 = arith.constant 2147483647 : i32
    %broadcast_in_dim3A_811 = vector.broadcast %jit3A_810 : i32 to vector<1024x128xi32>
    %select_n3A_812 = arith.select %gt3A_809, %min3A_719, %broadcast_in_dim3A_811 : vector<1024x128xi1>, vector<1024x128xi32>
    %broadcast_in_dim3A_813 = vector.shape_cast %reduce_min3A_792 : vector<1024xi32> to vector<1024x1xi32>
    %gt3A_814 = vector.broadcast %broadcast_in_dim3A_813 : vector<1024x1xi32> to vector<1024x128xi32>
    %gt3A_815 = arith.cmpi sgt, %min3A_721, %gt3A_814 : vector<1024x128xi32>
    %jit3A_816 = arith.constant 2147483647 : i32
    %broadcast_in_dim3A_817 = vector.broadcast %jit3A_816 : i32 to vector<1024x128xi32>
    %select_n3A_818 = arith.select %gt3A_815, %min3A_721, %broadcast_in_dim3A_817 : vector<1024x128xi1>, vector<1024x128xi32>
    %min3A_819 = arith.minsi %select_n3A_812, %select_n3A_818 : vector<1024x128xi32>
    %reduce_min3A_820 = arith.constant dense<2147483647> : vector<1024xi32>
    %reduce_min3A_821 = vector.multi_reduction <minsi>, %min3A_819, %reduce_min3A_820 [1] : vector<1024x128xi32> to vector<1024xi32>
    %and3A_822 = arith.constant -4096 : i32
    %and3A_823 = vector.broadcast %and3A_822 : i32 to vector<1024xi32>
    %and3A_824 = arith.andi %reduce_min3A_821, %and3A_823 : vector<1024xi32>
    %bitcast_convert_type3A_825 = tpu.bitcast %and3A_824 : vector<1024xi32> -> vector<1024xf32>
    %and3A_826 = arith.constant 4095 : i32
    %and3A_827 = vector.broadcast %and3A_826 : i32 to vector<1024xi32>
    %and3A_828 = arith.andi %reduce_min3A_821, %and3A_827 : vector<1024xi32>
    %broadcast_in_dim3A_829 = vector.shape_cast %and3A_828 : vector<1024xi32> to vector<1024x1xi32>
    %mul3A_830 = arith.constant -5.000000e-01 : f32
    %mul3A_831 = vector.broadcast %mul3A_830 : f32 to vector<1024xf32>
    %mul3A_832 = arith.mulf %mul3A_831, %bitcast_convert_type3A_825 : vector<1024xf32>
    %exp3A_833 = math.exp %mul3A_832 : vector<1024xf32>
    %mul3A_834 = arith.mulf %exp3A_833, %bitcast_convert_type3A_825 : vector<1024xf32>
    %broadcast_in_dim3A_835 = vector.shape_cast %mul3A_834 : vector<1024xf32> to vector<1024x1xf32>
    %broadcast_in_dim3A_836 = vector.shape_cast %reduce_min3A_821 : vector<1024xi32> to vector<1024x1xi32>
    %gt3A_837 = vector.broadcast %broadcast_in_dim3A_836 : vector<1024x1xi32> to vector<1024x128xi32>
    %gt3A_838 = arith.cmpi sgt, %min3A_719, %gt3A_837 : vector<1024x128xi32>
    %jit3A_839 = arith.constant 2147483647 : i32
    %broadcast_in_dim3A_840 = vector.broadcast %jit3A_839 : i32 to vector<1024x128xi32>
    %select_n3A_841 = arith.select %gt3A_838, %min3A_719, %broadcast_in_dim3A_840 : vector<1024x128xi1>, vector<1024x128xi32>
    %broadcast_in_dim3A_842 = vector.shape_cast %reduce_min3A_821 : vector<1024xi32> to vector<1024x1xi32>
    %gt3A_843 = vector.broadcast %broadcast_in_dim3A_842 : vector<1024x1xi32> to vector<1024x128xi32>
    %gt3A_844 = arith.cmpi sgt, %min3A_721, %gt3A_843 : vector<1024x128xi32>
    %jit3A_845 = arith.constant 2147483647 : i32
    %broadcast_in_dim3A_846 = vector.broadcast %jit3A_845 : i32 to vector<1024x128xi32>
    %select_n3A_847 = arith.select %gt3A_844, %min3A_721, %broadcast_in_dim3A_846 : vector<1024x128xi1>, vector<1024x128xi32>
    %min3A_848 = arith.minsi %select_n3A_841, %select_n3A_847 : vector<1024x128xi32>
    %reduce_min3A_849 = arith.constant dense<2147483647> : vector<1024xi32>
    %reduce_min3A_850 = vector.multi_reduction <minsi>, %min3A_848, %reduce_min3A_849 [1] : vector<1024x128xi32> to vector<1024xi32>
    %and3A_851 = arith.constant -4096 : i32
    %and3A_852 = vector.broadcast %and3A_851 : i32 to vector<1024xi32>
    %and3A_853 = arith.andi %reduce_min3A_850, %and3A_852 : vector<1024xi32>
    %bitcast_convert_type3A_854 = tpu.bitcast %and3A_853 : vector<1024xi32> -> vector<1024xf32>
    %and3A_855 = arith.constant 4095 : i32
    %and3A_856 = vector.broadcast %and3A_855 : i32 to vector<1024xi32>
    %and3A_857 = arith.andi %reduce_min3A_850, %and3A_856 : vector<1024xi32>
    %broadcast_in_dim3A_858 = vector.shape_cast %and3A_857 : vector<1024xi32> to vector<1024x1xi32>
    %mul3A_859 = arith.constant -5.000000e-01 : f32
    %mul3A_860 = vector.broadcast %mul3A_859 : f32 to vector<1024xf32>
    %mul3A_861 = arith.mulf %mul3A_860, %bitcast_convert_type3A_854 : vector<1024xf32>
    %exp3A_862 = math.exp %mul3A_861 : vector<1024xf32>
    %mul3A_863 = arith.mulf %exp3A_862, %bitcast_convert_type3A_854 : vector<1024xf32>
    %broadcast_in_dim3A_864 = vector.shape_cast %mul3A_863 : vector<1024xf32> to vector<1024x1xf32>
    %broadcast_in_dim3A_865 = arith.constant 0 : i32
    %broadcast_in_dim3A_866 = vector.broadcast %broadcast_in_dim3A_865 : i32 to vector<1024x3xi32>
    %concatenate3A = tpu.concatenate %broadcast_in_dim3A_743, %broadcast_in_dim3A_771, %broadcast_in_dim3A_800, %broadcast_in_dim3A_829, %broadcast_in_dim3A_858, %broadcast_in_dim3A_866 in 1 : vector<1024x1xi32>, vector<1024x1xi32>, vector<1024x1xi32>, vector<1024x1xi32>, vector<1024x1xi32>, vector<1024x3xi32> -> vector<1024x8xi32>
    %swap3A = arith.constant 0 : index
    %swap3A_867 = arith.constant 0 : index
    %swap3A_868 = vector.load %arg3[%swap3A, %swap3A_867] : memref<1024x8xi32, #tpu.memory_space<vmem>>, vector<1024x8xi32>
    tpu.vector_store %arg3[%swap3A, %swap3A_867], %concatenate3A {strides = array<i32>} : memref<1024x8xi32, #tpu.memory_space<vmem>>, vector<1024x8xi32>,
    %broadcast_in_dim3A_869 = arith.constant 0.000000e+00 : f32
    %broadcast_in_dim3A_870 = vector.broadcast %broadcast_in_dim3A_869 : f32 to vector<1024x3xf32>
    %concatenate3A_871 = tpu.concatenate %broadcast_in_dim3A_748, %broadcast_in_dim3A_777, %broadcast_in_dim3A_806, %broadcast_in_dim3A_835, %broadcast_in_dim3A_864, %broadcast_in_dim3A_870 in 1 : vector<1024x1xf32>, vector<1024x1xf32>, vector<1024x1xf32>, vector<1024x1xf32>, vector<1024x1xf32>, vector<1024x3xf32> -> vector<1024x8xf32>
    %swap3A_872 = arith.constant 0 : index
    %swap3A_873 = arith.constant 0 : index
    %swap3A_874 = vector.load %arg4[%swap3A_872, %swap3A_873] : memref<1024x8xf32, #tpu.memory_space<vmem>>, vector<1024x8xf32>
    tpu.vector_store %arg4[%swap3A_872, %swap3A_873], %concatenate3A_871 {strides = array<i32>} : memref<1024x8xf32, #tpu.memory_space<vmem>>, vector<1024x8xf32>,
    return
  }
  func.func @transform_0(%arg0: i32) -> (i32, i32) {
    %c0_i32 = arith.constant 0 : i32
    %c0_i32_0 = arith.constant 0 : i32
    return %arg0, %c0_i32 : i32, i32
  }
  func.func @transform_1(%arg0: i32) -> (i32, i32) {
    %c0_i32 = arith.constant 0 : i32
    %c0_i32_0 = arith.constant 0 : i32
    %c0_i32_1 = arith.constant 0 : i32
    return %c0_i32, %c0_i32_0 : i32, i32
  }
  func.func @transform_2(%arg0: i32) -> (i32, i32) {
    %c0_i32 = arith.constant 0 : i32
    %c0_i32_0 = arith.constant 0 : i32
    return %arg0, %c0_i32 : i32, i32
  }
  func.func @transform_3(%arg0: i32) -> (i32, i32) {
    %c0_i32 = arith.constant 0 : i32
    %c0_i32_0 = arith.constant 0 : i32
    return %arg0, %c0_i32 : i32, i32
  }
}

</mosaic_0001>

<sc_bundles>
// kernel: kernel.4.cloned.1.call-start
scs
__scs_entry_jumppad:
0x0: {  	(pc) =	sbr.rel $0x88, $3  }
0x1: {  	(tag) =	ssettag $0x0;
	lr =	simm.s32 $0x1  }
0x2: {  	[smem:$0x3FA0] =	sst lr;
	_ =	strace $0xD0000000  }
0x3: {  	_ = 	snop  }
0x4: {  	_ = 	snop  }
0x5: {  	_ = 	snop  }
0x6: {  	_ = 	snop  }
0x7: {  	_ = 	snop  }
__scs_overlays_trampoline_lowered:
0x8: {  	[smem:$0x3FAF] =	sst s0  }
0x9: {  	[smem:$0x3FB0] =	sst s1  }
0xa: {  	[smem:$0x3FB1] =	sst s2  }
0xb: {  	[smem:$0x3FB2] =	sst s3  }
0xc: {  	[smem:$0x3FB3] =	sst s4  }
0xd: {  	[smem:$0x3FB4] =	sst s5  }
0xe: {  	[smem:$0x3FB5] =	sst s6  }
0xf: {  	[smem:$0x3FB6] =	sst s7  }
0x10: {  	[smem:$0x3FB7] =	sst s8  }
0x11: {  	[smem:$0x3FB8] =	sst s9;
	s0 =	simm.s32 @!p0 $0x0  }
0x12: {  	s1 =	sld [smem:$0x3F9E];
	s0 =	simm.s32 @p0 $0x1  }
0x13: {  	[smem:$0x3FB9] =	sst s0;
	s0 =	simm.s32 @!p1 $0x0  }
0x14: {  	s2 =	sld [smem:$0x3F9D];
	s0 =	simm.s32 @p1 $0x1  }
0x15: {  	[smem:$0x3FBA] =	sst s0;
	s0 =	simm.s32 @!p2 $0x0  }
0x16: {  	s3 =	sld [smem:$0x3FDB];
	s0 =	simm.s32 @p2 $0x1  }
0x17: {  	s4 =	simm.s32 $0x1BF5;
	[smem:$0x3FBC] =	sst s0  }
0x18: {  	s0 =	sld [smem:$0x3F9F];
	_ =	swait.ge [sflag:s4], $0x0  }
0x19: {  	s7 =	sld [smem:$0x3FA0]  }
0x1a: {  	s8 =	sadd.s32 $0xFFFFE003, lr  }
0x1b: {  	s9 =	sadd.s32 $0xFFFFFEF7, lr;
	s5 =	simm.s32 $0xFFFFFFFF;
	p2 =	slt.u32 s8, $0xFFFFF086  }
0x1c: {  	p1 =	slt.u32 s9, $0xF7A;
	s5 =	simm.s32 @!p2 $0x0  }
0x1d: {  	s5 =	simm.s32 @p1 $0x1;
	p0 =	seq.s32 s7, s2  }
0x1e: {  	s7 =	smul.u32 @!p0 $0xF7A, s2;
	p2 =	seq.s32 @!p0 s5, $0x0  }
0x1f: {  	s9 =	smul.u32 $0xF7A, s1;
	s8 =	simm.s32 @!p0 $0x1BF5;
	p2 =	por !p2, p0  }
0x20: {  	[sflag:s8] =	ssyncset.s32 @!p0 $0xFFFFF086;
	s6 =	sadd.s32 @!p0 s3, s7;
	s7 =	simm.s32 @!p0 $0x108  }
0x21: {  	s3 =	sadd.s32 s3, s9;
	s6 =	sadd.s32 @!p0 $0x88, s6;
	s7 =	simm.s32 @p2 $0x1082  }
0x22: {  	[simem:s7], [sflag:s8] =	dma.local @!p0 [hbm:s6], $0xF7A  }
0x23: {  	s9 =	sor.u32 $0xD0000000, s2;
	s6 =	simm.s32 $0x108;
	_ =	swait.ge @!p0 [sflag:s8], $0x0  }
0x24: {  	s3 =	sadd.s32 $0x88, s3;
	s6 =	simm.s32 @!p1 $0x1082;
	[sflag:s4] =	ssyncset.s32 $0xFFFFF086  }
0x25: {  	[simem:s6], [sflag:s4] =	dma.local [hbm:s3], $0xF7A  }
0x26: {  	[smem:$0x3FA0] =	sst s1;
	(tag) =	ssettag s2;
	_ =	strace s9  }
0x27: {  	s1 =	sld [smem:$0x3FB0]  }
0x28: {  	s2 =	sld [smem:$0x3FB1]  }
0x29: {  	s4 =	sld [smem:$0x3FB3]  }
0x2a: {  	p0 =	seq.s32 s5, $0x0;
	s5 =	sld [smem:$0x3FB4]  }
0x2b: {  	s6 =	sld [smem:$0x3FB5]  }
0x2c: {  	s7 =	sld [smem:$0x3FB6]  }
0x2d: {  	s3 =	simm.s32 $0x108;
	s8 =	sld [smem:$0x3FB7]  }
0x2e: {  	s3 =	simm.s32 @!p0 $0x1082;
	s9 =	sld [smem:$0x3FB8]  }
0x2f: {  	lr =	sadd.s32 s0, s3;
	s0 =	sld [smem:$0x3FAF]  }
0x30: {  	s3 =	sld [smem:$0x3FB2]  }
0x31: {  	[smem:$0x3FBB] =	sst s10  }
0x32: {  	s10 =	sld [smem:$0x3FB9];
	_ =	sdelay $0x3  }
0x33: {  	p0 =	seq.s32 s10, $0x1;
	s10 =	sld [smem:$0x3FBB];
	_ =	sdelay $0x3  }
0x34: {  	[smem:$0x3FBB] =	sst s10  }
0x35: {  	s10 =	sld [smem:$0x3FBA];
	_ =	sdelay $0x3  }
0x36: {  	p1 =	seq.s32 s10, $0x1;
	s10 =	sld [smem:$0x3FBB];
	_ =	sdelay $0x3  }
0x37: {  	[smem:$0x3FBB] =	sst s10  }
0x38: {  	s10 =	sld [smem:$0x3FBC]  }
0x39: {  	_ = 	snop;
	(pc) =	sbr.ind lr, $3  }
0x3a: {  	_ = 	snop  }
0x3b: {  	_ = 	snop  }
0x3c: {  	p2 =	seq.s32 s10, $0x1;
	s10 =	sld [smem:$0x3FBB]  }
0x3d: {  	_ =	shalt  }
0x3e: {  	_ =	shalt  }
0x3f: {  	_ =	shalt  }
0x40: {  	_ =	shalt  }
0x41: {  	_ =	shalt  }
0x42: {  	_ =	shalt  }
0x43: {  	_ =	shalt  }
0x44: {  	_ =	shalt  }
0x45: {  	_ =	shalt  }
0x46: {  	_ =	shalt  }
0x47: {  	_ =	shalt  }
0x48: {  	_ =	shalt  }
0x49: {  	_ =	shalt  }
0x4a: {  	_ =	shalt  }
0x4b: {  	_ =	shalt  }
0x4c: {  	_ =	shalt  }
0x4d: {  	_ =	shalt  }
0x4e: {  	_ =	shalt  }
0x4f: {  	_ =	shalt  }
0x50: {  	_ =	shalt  }
0x51: {  	_ =	shalt  }
0x52: {  	_ =	shalt  }
0x53: {  	_ =	shalt  }
0x54: {  	_ =	shalt  }
0x55: {  	_ =	shalt  }
0x56: {  	_ =	shalt  }
0x57: {  	_ =	shalt  }
0x58: {  	_ =	shalt  }
0x59: {  	_ =	shalt  }
0x5a: {  	_ =	shalt  }
0x5b: {  	_ =	shalt  }
0x5c: {  	_ =	shalt  }
0x5d: {  	_ =	shalt  }
0x5e: {  	_ =	shalt  }
0x5f: {  	_ =	shalt  }
0x60: {  	_ =	shalt  }
0x61: {  	_ =	shalt  }
0x62: {  	_ =	shalt  }
0x63: {  	_ =	shalt  }
0x64: {  	_ =	shalt  }
0x65: {  	_ =	shalt  }
0x66: {  	_ =	shalt  }
0x67: {  	_ =	shalt  }
0x68: {  	_ =	shalt  }
0x69: {  	_ =	shalt  }
0x6a: {  	_ =	shalt  }
0x6b: {  	_ =	shalt  }
0x6c: {  	_ =	shalt  }
0x6d: {  	_ =	shalt  }
0x6e: {  	_ =	shalt  }
0x6f: {  	_ =	shalt  }
0x70: {  	_ =	shalt  }
0x71: {  	_ =	shalt  }
0x72: {  	_ =	shalt  }
0x73: {  	_ =	shalt  }
0x74: {  	_ =	shalt  }
0x75: {  	_ =	shalt  }
0x76: {  	_ =	shalt  }
0x77: {  	_ =	shalt  }
0x78: {  	_ =	shalt  }
0x79: {  	_ =	shalt  }
0x7a: {  	_ =	shalt  }
0x7b: {  	_ =	shalt  }
0x7c: {  	_ =	shalt  }
0x7d: {  	_ =	shalt  }
0x7e: {  	_ =	shalt  }
0x7f: {  	_ =	shalt  }
0x80: {  	_ =	shalt  }
0x81: {  	_ =	shalt  }
0x82: {  	_ =	shalt  }
0x83: {  	_ =	shalt  }
0x84: {  	_ =	shalt  }
0x85: {  	_ =	shalt  }
0x86: {  	_ =	shalt  }
0x87: {  	_ =	shalt  }
.Lfunc_end0:
.L_simem_size_0:
called_computation_lowered:
.L_overlay_start_0:
0x88: {  	s2 =	sld [smem:$0x3FD9]  }
0x89: {  	s3 =	sld [smem:$0x3FFE];
	_ =	sdelay $0x1  }
0x8a: {  	s1 =	srdreg.scid  }
0x8b: {  	s0 =	sand.u32 $0x1, s1  }
0x8c: {  	s16 =	sshll.u32 s0, $0xA;
	s2 =	sadd.s32 s3, s2  }
0x8d: {  	s2 =	sadd.s32 s2, s16  }
0x8e: {  	[smem:$0x3FC7] =	sst s2  }
0x8f: {  	_ = 	snop  }
0x90: {  	(tm) =	ssettm $0x1  }
0x91: {  	s17 =	sld [smem:$0x3FFB];
	_ =	sdelay $0x3  }
0x92: {  	_ =	strace s17  }
0x93: {  	s2 =	sld [smem:$0x3FFC];
	_ =	sdelay $0x3  }
0x94: {  	_ =	strace s2  }
0x95: {  	s2 =	sld [smem:$0x3FFD];
	_ =	sdelay $0x3  }
0x96: {  	_ =	strace s2  }
0x97: {  	_ =	strace $0x8FFFFFFF  }
0x98: {  	s18 =	sld [smem:$0x3FDB];
	_ =	sdelay $0x1  }
0x99: {  	s19 =	simm.s32 $_scs_section_size  }
0x9a: {  	s4 =	simm.s32 $_size__tile_overlayer_lowered;
	s5 =	simm.s32 $_tile_overlayer_lowered  }
0x9b: {  	s22 =	simm.s32 $0x1BFF;
	s21 =	sshll.u32 s5, $0x1;
	s2 =	sadd.s32 s19, s18  }
0x9c: {  	s6 =	simm.s32 $0x0;
	s20 =	sshll.u32 s4, $0x1;
	s4 =	sadd.s32 s21, s2  }
0x9d: {  	[timem:s6], [sflag:s22] =	dma.local [hbm:s4], s20  }
0x9e: {  	_ =	swait.ge [sflag:s22], s20  }
0x9f: {  	s3 =	ssub.s32 $0x0, s20;
	[sflag:s22] =	ssyncset.done $0x0  }
0xa0: {  	[sflag:s22] =	ssyncadd.s32 s3;
	_ =	sdelay $0x1  }
0xa1: {  	s23 =	simm.s32 $0x1B8B  }
0xa2: {  	_ =	swait.ge [sflag:s23], $0x1  }
0xa3: {  	[sflag:s23] =	ssyncset.done $0x0  }
0xa4: {  	s25 =	simm.s32 $0x1B8E;
	s24 =	sld [smem:$0x3FFE];
	[sflag:s23] =	ssyncadd.s32 $0xFFFFFFFF  }
0xa5: {  	s26 =	simm.s32 $execute0_lowered;
	[smem:$0x3FD2] =	sst s25  }
0xa6: {  	s4 =	sshll.u32 s26, $0x1;
	_ =	strace $0x80000046;
	[dreg:$0x1] =	wrdreg $0xFFFFFFFF  }
0xa7: {  	s28 =	simm.s32 $_size_execute0_lowered;
	s2 =	sadd.s32 s2, s4;
	[dreg:$0x0] =	wrdreg $0x0  }
0xa8: {  	s4 =	sshll.u32 s28, $0x1;
	[dreg:$0x2] =	wrdreg s2  }
0xa9: {  	[dreg:$0x3] =	wrdreg s4  }
0xaa: {  	[dreg:$0x4] =	wrdreg $0xC0  }
0xab: {  	_ =	task [dreg:s6], $0x5FFFF  }
0xac: {  	[dreg:$0x1] =	wrdreg $0xFFFFFFFF  }
0xad: {  	[dreg:$0x0] =	wrdreg $0x60  }
0xae: {  	[dreg:$0x2] =	wrdreg s24  }
0xaf: {  	[dreg:$0x3] =	wrdreg $0x9  }
0xb0: {  	_ =	task.clear_ibuf [dreg:s6], $0x4FFFF;
	_ =	strace $0x90000046  }
0xb1: {  	s29 =	simm.s32 $0x9;
	_ =	strace $0x80000048  }
0xb2: {  	_ =	swait.ge [sflag:s29], $0x1  }
0xb3: {  	[sflag:s29] =	ssyncadd.s32 $0xFFFFFFFF  }
0xb4: {  	_ =	strace $0x90000048  }
0xb5: {  	_ =	sfence  }
0xb6: {  	s30 =	sld [smem:$0x0];
	_ =	sdelay $0x2  }
0xb7: {  	s31 =	sshll.u32 s1, $0xD;
	s1 =	sshrl.u32 s1, $0x2  }
0xb8: {  	s3 =	sand.u32 $0x4000, s31;
	s1 =	sadd.s32 s1, s30  }
0xb9: {  	s0 =	sor.u32 s3, s0;
	s1 =	sshll.u32 s1, $0x11  }
0xba: {  	s0 =	sor.u32 s1, s0  }
0xbb: {  	s0 =	sadd.s32 $0x8F2B, s0  }
0xbc: {  	[sflag:s0] =	ssyncadd.remote.s32 $0x1  }
0xbd: {  	_ =	sfence.sel $0xFFFF  }
0xbe: {  	[dreg:$0x0] =	wrdreg $0xFFFFFFFF;
	(pc) =	sbr.abs _section_cstart, $3  }
0xbf: {  	[dreg:$0x1] =	wrdreg $0xFFFFFFFF  }
0xc0: {  	_ =	task.clear_ibuf [dreg:s6], $0x2FFFF;
	_ =	strace $0x9FFFFFFF  }
0xc1: {  	(tm) =	ssettm $0x7FFFFFFF  }
tec
execute0_lowered:
.L_overlay_start_1:
0x0: {  	(tag) =	ssettag $0x1  }
0x1: {  	s4 =	rddreg [dreg:$0x0]  }
0x2: {  	s0 =	rddreg [dreg:$0x1];
	s2 =	simm.s32 $0x0;
	s3 =	srdreg.scid  }
0x3: {  	s1 =	stileid.u32;
	s10 =	simm.s32 $0x0;
	[smem:$0x7FF] =	sst s2  }
0x4: {  	s5 =	sand.u32 $0x1, s3;
	s31 =	sshll.u32 s1, $0x1;
	s3 =	sadd.s32 $0x200, s4  }
0x5: {  	_ =	strace $0x80000047;
	s6 =	sor.u32 s5, s31;
	s5 =	ssub.s32 $0x2, s5  }
0x6: {  	s8 =	sshll.u32 s6, $0x7;
	s6 =	sshll.u32 s6, $0x1;
	s9 =	sshrl.u32 s5, $0x1  }
0x7: {  	v1 =	vlaneseq.u32;
	s7 =	sadd.s32 s8, s4;
	s6 =	sadd.s32 s6, s4;
	s9 =	ssub.s32 s5, s9  }
0x8: {  	v0 =	vor.u32 s8, v1;
	s8 =	simm.s32 $0x8000;
	s4 =	sadd.s32 $0x1200, s7;
	s5 =	sadd.s32 $0x2200, s6  }
0x9: {  	v2 =	vimm.f32 $1.000000000e+00;
	v1 =	vmul.u32 $0x8, v1;
	s6 =	smax.u32 s9, $0x1;
	s7 =	simm.s32 $0x1;
	s9 =	simm.s32 $0x8400  }
.LBB2_1:
0xa: {  	[tilespmem:s2], [sflag:$0x1] =	stream.linear.gather [hbm4b:s3+s2], $0x8000, $0x38;
	[tilespmem:$0x8480] =	vst v63  }
0xb: {  	_ =	swait.ge [sflag:s7], $0x8000  }
0xc: {  	v3 =	vor.u32 s2, v0;
	[sflag:s7] =	ssyncset.done $0x0  }
0xd: {  	v4 =	vshll.u32 v3, $0x3;
	[sflag:s7] =	ssyncadd.s32 $0xFFFF8000  }
0xe: {  	v5 =	vor.u32 $0x1, v4;
	[tilespmem:s8], [sflag:$0x1] =	stream.linear.gather [hbm4b:s4+s2], $0x400, $0x38;
	[tilespmem:$0x8480] =	vst v63  }
0xf: {  	v6 =	vor.u32 $0x2, v4;
	_ =	swait.ge [sflag:s7], $0x400  }
0x10: {  	[sflag:s7] =	ssyncset.done $0x0  }
0x11: {  	[sflag:s7] =	ssyncadd.s32 $0xFFFFFC00  }
0x12: {  	v7 =	vld.idx.msk [tilespmem:v4+s2+$0x0], $0xffff  }
0x13: {  	v8 =	vor.u32 $0x3, v4;
	v5 =	vld.idx.msk [tilespmem:v5+s2+$0x0], $0xffff  }
0x14: {  	v6 =	vld.idx.msk [tilespmem:v6+s2+$0x0], $0xffff;
	_ =	sdelay $0x1  }
0x15: {  	v4 =	vor.u32 $0x4, v4  }
0x16: {  	v7 =	vshll.u32 v7, $0x3  }
0x17: {  	v8 =	vld.idx.msk [tilespmem:v8+s2+$0x0], $0xffff;
	v5 =	vshll.u32 v5, $0x3  }
0x18: {  	v6 =	vshll.u32 v6, $0x3  }
0x19: {  	v9 =	vor.u32 $0x2, v7  }
0x1a: {  	v4 =	vld.idx.msk [tilespmem:v4+s2+$0x0], $0xffff;
	v10 =	vor.u32 $0x1, v7  }
0x1b: {  	v11 =	vor.u32 $0x4, v7;
	v12 =	vld.idx.msk [tilespmem:v7+s2+$0x0], $0xffff  }
0x1c: {  	v14 =	vshll.u32 v8, $0x3;
	v20 =	vld.idx.msk [tilespmem:v5+s2+$0x0], $0xffff  }
0x1d: {  	v13 =	vor.u32 $0x3, v6;
	v21 =	vld.idx.msk [tilespmem:v6+s2+$0x0], $0xffff  }
0x1e: {  	v15 =	vor.u32 $0x4, v5;
	v19 =	vld.idx.msk [tilespmem:v9+s2+$0x0], $0xffff  }
0x1f: {  	v22 =	vor.u32 $0x2, v5;
	v10 =	vld.idx.msk [tilespmem:v10+s2+$0x0], $0xffff  }
0x20: {  	v27 =	vor.u32 $0x1, v5;
	v23 =	vld.idx.msk [tilespmem:v11+s2+$0x0], $0xffff  }
0x21: {  	v4 =	vshll.u32 v4, $0x3;
	v11 =	vld.idx.msk [tilespmem:v14+s2+$0x0], $0xffff  }
0x22: {  	v9 =	vor.u32 $0x3, v5;
	v26 =	vld.idx.msk [tilespmem:v13+s2+$0x0], $0xffff  }
0x23: {  	v8 =	vor.u32 $0x1, v14;
	v28 =	vld.idx.msk [tilespmem:v15+s2+$0x0], $0xffff  }
0x24: {  	v16 =	vor.u32 $0x4, v4;
	v31 =	vld.idx.msk [tilespmem:v22+s2+$0x0], $0xffff  }
0x25: {  	v18 =	vor.u32 $0x3, v4;
	v32 =	vld.idx.msk [tilespmem:v27+s2+$0x0], $0xffff  }
0x26: {  	v24 =	vor.u32 $0x1, v4;
	v17 =	vld.idx.msk [tilespmem:v4+s2+$0x0], $0xffff  }
0x27: {  	v29 =	vor.u32 $0x1, v6;
	v30 =	vor.u32 $0x3, v7;
	v25 =	vld.idx.msk [tilespmem:v9+s2+$0x0], $0xffff  }
0x28: {  	v7 =	vor.u32 $0x4, v6;
	v13 =	vmov s2;
	v4 =	vor.u32 $0x2, v4;
	v9 =	vld.idx.msk [tilespmem:v8+s2+$0x0], $0xffff  }
0x29: {  	v5 =	vimm.f32 $0.0e+00;
	v15 =	vld.idx.msk [tilespmem:v16+s2+$0x0], $0xffff;
	v8 =	vor.u32 $0x2, v6;
	v6 =	vshll.u32 v13, $0x3  }
0x2a: {  	vm0 =	veq.s32 v12, v3;
	vm2 =	veq.s32 v20, v3;
	v18 =	vld.idx.msk [tilespmem:v18+s2+$0x0], $0xffff;
	v22 =	vor.u32 v1, v6  }
0x2b: {  	vm1 =	veq.s32 v21, v3;
	v13 =	vor.u32 $0x2, v14;
	v16 =	vld.idx.msk [tilespmem:v24+s2+$0x0], $0xffff;
	v6 =	vor.u32 $0x1, v22  }
0x2c: {  	s11 =	simm.s32 $0x10;
	vm3 =	veq.s32 v10, v3;
	v10 =	vor.u32 $0x3, v14;
	v24 =	vld.idx.msk [tilespmem:v29+s2+$0x0], $0xffff;
	v33 =	vor.u32 $0x2, v22  }
0x2d: {  	vm4 =	vmor vm0, vm3;
	vm3 =	veq.s32 v23, v3;
	v23 =	vld.idx.msk [tilespmem:v4+s2+$0x0], $0xffff;
	v4 =	vor.u32 s11, v0  }
0x2e: {  	v14 =	vor.u32 $0x4, v14;
	vm6 =	veq.s32 v25, v3;
	v25 =	vld.idx.msk [tilespmem:v30+s2+$0x0], $0xffff;
	v21 =	vshll.u32 v4, $0x3  }
0x2f: {  	vm7 =	veq.s32 v19, v3;
	vm5 =	veq.s32 v28, v3;
	v12 =	vld.idx.msk [tilespmem:v22+s8+$0x0], $0xffff;
	v27 =	vor.u32 $0x1, v21  }
0x30: {  	vm9 =	veq.s32 v31, v3;
	vm0 =	veq.s32 v26, v3;
	v26 =	vor.u32 $0x2, v21;
	v20 =	vld.idx.msk [tilespmem:v6+s8+$0x0], $0xffff  }
0x31: {  	s12 =	simm.s32 $0x20;
	vm10 =	veq.s32 v32, v3;
	vm8 =	vmor vm4, vm7;
	v19 =	vor.u32 $0x3, v22;
	v6 =	vld.idx.msk [tilespmem:v33+s8+$0x0], $0xffff  }
.LBB2_2:
0x32: {  	p0 =	sne.s32 s12, $0x70;
	v28 =	vor.u32 $0x3, v21;
	v13 =	vld.idx.msk [tilespmem:v13+s2+$0x0], $0xffff;
	vm12 =	veq.s32 v17, v3;
	s13 =	smov.u32 s12;
	s12 =	sadd.s32 $0x10, s12  }
0x33: {  	v22 =	vor.u32 $0x4, v22;
	vm7 =	veq.s32 v18, v3;
	v17 =	vld.idx.msk [tilespmem:v21+s2+$0x0], $0xffff  }
0x34: {  	vm11 =	veq.s32 v24, v3;
	vm4 =	veq.s32 v15, v3;
	vm13 =	veq.s32 v25, v3;
	v18 =	vld.idx.msk [tilespmem:v27+s2+$0x0], $0xffff  }
0x35: {  	vm10 =	vmor vm2, vm10;
	vm2 =	veq.s32 v11, v3;
	vm8 =	vmor vm8, vm13;
	v15 =	vld.idx.msk [tilespmem:v26+s2+$0x0], $0xffff  }
0x36: {  	vm8 =	vmor vm8, vm3;
	vm3 =	vmor vm10, vm9;
	vm9 =	veq.s32 v23, v3;
	v24 =	vld.idx.msk [tilespmem:v14+s2+$0x0], $0xffff  }
0x37: {  	vm10 =	veq.s32 v16, v3;
	vm3 =	vmor vm3, vm6;
	vm6 =	veq.s32 v9, v3;
	v11 =	vld.idx.msk [tilespmem:v28+s2+$0x0], $0xffff  }
0x38: {  	v9 =	vor.u32 $0x4, v21;
	vm3 =	vmor vm3, vm5;
	vm5 =	vmor vm12, vm10;
	v10 =	vld.idx.msk [tilespmem:v10+s2+$0x0], $0xffff  }
0x39: {  	v14 =	vshll.u32 v17, $0x3;
	v16 =	vsel vm3, $0x3F000000, v2;
	vm3 =	vmor vm5, vm9;
	v17 =	vld.idx.msk [tilespmem:v8+s2+$0x0], $0xffff  }
0x3a: {  	v21 =	vor.u32 $0x1, v14;
	v23 =	vor.u32 $0x2, v14;
	v16 =	vmul.f32 v16, v20;
	v20 =	vld.idx.msk [tilespmem:v7+s2+$0x0], $0xffff  }
0x3b: {  	v26 =	vsel vm8, $0x3F000000, v2;
	v25 =	vor.u32 $0x3, v14;
	v18 =	vshll.u32 v18, $0x3;
	v22 =	vld.idx.msk [tilespmem:v22+s8+$0x0], $0xffff  }
0x3c: {  	vm1 =	vmor vm1, vm11;
	v27 =	vor.u32 $0x1, v18;
	v15 =	vshll.u32 v15, $0x3;
	v19 =	vld.idx.msk [tilespmem:v19+s8+$0x0], $0xffff  }
0x3d: {  	vm8 =	veq.s32 v13, v3;
	v28 =	vor.u32 $0x1, v15;
	v8 =	vor.u32 $0x2, v15;
	v9 =	vld.idx.msk [tilespmem:v9+s2+$0x0], $0xffff  }
0x3e: {  	v7 =	vor.u32 $0x4, v15;
	vm9 =	veq.s32 v10, v3;
	v29 =	vld.idx.msk [tilespmem:v14+s2+$0x0], $0xffff;
	v14 =	vor.u32 $0x4, v14  }
0x3f: {  	v30 =	vor.u32 $0x3, v18;
	v31 =	vor.u32 $0x4, v18;
	vm10 =	veq.s32 v17, v3;
	v23 =	vld.idx.msk [tilespmem:v23+s2+$0x0], $0xffff  }
0x40: {  	v32 =	vshll.u32 v11, $0x3;
	vm5 =	veq.s32 v20, v3;
	v17 =	vld.idx.msk [tilespmem:v21+s2+$0x0], $0xffff;
	v21 =	vor.u32 $0x3, v15  }
0x41: {  	v12 =	vmul.f32 v26, v12;
	v33 =	vor.u32 $0x1, v32;
	v13 =	vor.u32 $0x2, v32;
	v20 =	vld.idx.msk [tilespmem:v18+s2+$0x0], $0xffff  }
0x42: {  	vm2 =	vmor vm2, vm6;
	v26 =	vor.u32 $0x2, v18;
	vm1 =	vmor vm1, vm10;
	v15 =	vld.idx.msk [tilespmem:v15+s2+$0x0], $0xffff  }
0x43: {  	vm2 =	vmor vm2, vm8;
	v10 =	vor.u32 $0x3, v32;
	v34 =	vshll.u32 v9, $0x3;
	v18 =	vld.idx.msk [tilespmem:v14+s2+$0x0], $0xffff  }
0x44: {  	vm6 =	vmor vm2, vm9;
	vm8 =	veq.s32 v29, v4;
	v29 =	vld.idx.msk [tilespmem:v30+s2+$0x0], $0xffff;
	v30 =	vor.u32 $0x1, v34  }
0x45: {  	vm3 =	vmor vm3, vm7;
	v35 =	vor.u32 $0x3, v34;
	v36 =	vor.u32 $0x4, v34;
	v11 =	vld.idx.msk [tilespmem:v32+s2+$0x0], $0xffff  }
0x46: {  	vm0 =	vmor vm1, vm0;
	v14 =	vor.u32 $0x4, v32;
	vm2 =	veq.s32 v17, v4;
	v9 =	vld.idx.msk [tilespmem:v33+s2+$0x0], $0xffff  }
0x47: {  	vm7 =	vmor vm8, vm2;
	vm2 =	veq.s32 v20, v4;
	vm8 =	veq.s32 v24, v3;
	v3 =	vmovc v4;
	v20 =	vld.idx.msk [tilespmem:v21+s2+$0x0], $0xffff  }
0x48: {  	vm4 =	vmor vm3, vm4;
	vm0 =	vmor vm0, vm5;
	vm1 =	veq.s32 v15, v3;
	v17 =	vld.idx.msk [tilespmem:v34+s2+$0x0], $0xffff  }
0x49: {  	v5 =	vadd.f32 v12, v5;
	v12 =	vsel vm4, $0x3F000000, v2;
	vm3 =	veq.s32 v18, v3;
	v4 =	vld.idx.msk [tilespmem:v31+s2+$0x0], $0xffff  }
0x4a: {  	v24 =	vsel vm0, $0x3F000000, v2;
	v21 =	vor.u32 $0x2, v34;
	v31 =	vmul.f32 v12, v22;
	v15 =	vld.idx.msk [tilespmem:v36+s2+$0x0], $0xffff  }
0x4b: {  	v6 =	vmul.f32 v24, v6;
	vm0 =	vmor vm6, vm8;
	v12 =	vmov s11;
	s11 =	smov.u32 s13;
	v18 =	vld.idx.msk [tilespmem:v35+s2+$0x0], $0xffff  }
0x4c: {  	v5 =	vadd.f32 v16, v5;
	v24 =	vsel vm0, $0x3F000000, v2;
	v12 =	vshll.u32 v12, $0x3;
	v32 =	vld.idx.msk [tilespmem:v26+s2+$0x0], $0xffff  }
0x4d: {  	v22 =	vor.u32 v1, v12;
	v12 =	vmul.f32 v24, v19;
	vm0 =	veq.s32 v20, v3;
	v16 =	vld.idx.msk [tilespmem:v30+s2+$0x0], $0xffff  }
0x4e: {  	vm6 =	veq.s32 v29, v3;
	v5 =	vadd.f32 v6, v5;
	v19 =	vor.u32 $0x1, v22;
	v30 =	vld.idx.msk [tilespmem:v27+s2+$0x0], $0xffff  }
0x4f: {  	vm4 =	veq.s32 v23, v3;
	v6 =	vor.u32 $0x2, v22;
	vm5 =	veq.s32 v4, v3;
	v24 =	vld.idx.msk [tilespmem:v28+s2+$0x0], $0xffff  }
.Ltmp0:
0x50: {  	vm8 =	vmor vm7, vm4;
	v5 =	vadd.f32 v12, v5;
	v4 =	vor.u32 s11, v0;
	v23 =	vld.idx.msk [tilespmem:v21+s2+$0x0], $0xffff;
	(pc) =	sbr.rel @p0 .LBB2_2-.Ltmp0, $4  }
0x51: {  	v21 =	vshll.u32 v4, $0x3;
	v25 =	vld.idx.msk [tilespmem:v25+s2+$0x0], $0xffff  }
0x52: {  	v5 =	vadd.f32 v31, v5;
	v27 =	vor.u32 $0x1, v21;
	v26 =	vor.u32 $0x2, v21;
	v12 =	vld.idx.msk [tilespmem:v22+s8+$0x0], $0xffff  }
0x53: {  	vm9 =	veq.s32 v32, v3;
	v20 =	vld.idx.msk [tilespmem:v19+s8+$0x0], $0xffff  }
0x54: {  	vm10 =	veq.s32 v30, v3;
	v19 =	vor.u32 $0x3, v22;
	v6 =	vld.idx.msk [tilespmem:v6+s8+$0x0], $0xffff  }
0x55: {  	_ =	sdelay $0x3  }
0x56: {  	v13 =	vld.idx.msk [tilespmem:v13+s2+$0x0], $0xffff  }
0x57: {  	v28 =	vor.u32 $0x3, v21;
	vm12 =	veq.s32 v17, v3;
	v40 =	vld.idx.msk [tilespmem:v21+s2+$0x0], $0xffff;
	v22 =	vor.u32 $0x4, v22  }
0x58: {  	vm7 =	veq.s32 v18, v3;
	v41 =	vld.idx.msk [tilespmem:v27+s2+$0x0], $0xffff;
	vm11 =	veq.s32 v24, v3;
	vm4 =	veq.s32 v15, v3  }
0x59: {  	v42 =	vld.idx.msk [tilespmem:v26+s2+$0x0], $0xffff;
	vm10 =	vmor vm2, vm10;
	vm2 =	veq.s32 v11, v3;
	vm14 =	veq.s32 v23, v3  }
0x5a: {  	v43 =	vld.idx.msk [tilespmem:v14+s2+$0x0], $0xffff;
	vm15 =	veq.s32 v16, v3;
	v45 =	vor.u32 $0x4, v21;
	vm13 =	veq.s32 v25, v3  }
0x5b: {  	v10 =	vld.idx.msk [tilespmem:v10+s2+$0x0], $0xffff;
	v39 =	vmov s11;
	vm12 =	vmor vm12, vm15;
	vm8 =	vmor vm8, vm13  }
0x5c: {  	v8 =	vld.idx.msk [tilespmem:v8+s2+$0x0], $0xffff;
	vm1 =	vmor vm1, vm11;
	vm13 =	vmor vm10, vm9;
	vm8 =	vmor vm8, vm3  }
0x5d: {  	v7 =	vld.idx.msk [tilespmem:v7+s2+$0x0], $0xffff;
	vm3 =	vmor vm13, vm6;
	vm6 =	veq.s32 v9, v3;
	v46 =	vshll.u32 v40, $0x3  }
0x5e: {  	v19 =	vld.idx.msk [tilespmem:v19+s8+$0x0], $0xffff;
	vm3 =	vmor vm3, vm5;
	v51 =	vsel vm8, $0x3F000000, v2;
	v18 =	vshll.u32 v41, $0x3  }
0x5f: {  	vm2 =	vmor vm2, vm6;
	v44 =	vld.idx.msk [tilespmem:v28+s2+$0x0], $0xffff;
	v47 =	vsel vm3, $0x3F000000, v2;
	v15 =	vshll.u32 v42, $0x3  }
0x60: {  	vm3 =	vmor vm12, vm14;
	v22 =	vld.idx.msk [tilespmem:v22+s8+$0x0], $0xffff;
	vm13 =	veq.s32 v13, v3;
	v49 =	vor.u32 $0x2, v46  }
0x61: {  	v9 =	vld.idx.msk [tilespmem:v45+s2+$0x0], $0xffff;
	vm14 =	veq.s32 v10, v3;
	vm15 =	veq.s32 v8, v3;
	v48 =	vor.u32 $0x1, v46  }
0x62: {  	vm10 =	veq.s32 v7, v3;
	v12 =	vmul.f32 v51, v12;
	v16 =	vor.u32 $0x4, v46;
	v55 =	vld.idx.msk [tilespmem:v46+s2+$0x0], $0xffff  }
0x63: {  	vm9 =	veq.s32 v43, v3;
	v53 =	vor.u32 $0x1, v15;
	v57 =	vor.u32 $0x3, v18;
	v60 =	vld.idx.msk [tilespmem:v18+s2+$0x0], $0xffff  }
0x64: {  	v54 =	vor.u32 $0x2, v15;
	v28 =	vor.u32 $0x4, v15;
	v59 =	vor.u32 $0x3, v15;
	v15 =	vld.idx.msk [tilespmem:v15+s2+$0x0], $0xffff  }
0x65: {  	v41 =	vshll.u32 v39, $0x3;
	v17 =	vmul.f32 v47, v20;
	v29 =	vor.u32 $0x4, v18;
	v56 =	vld.idx.msk [tilespmem:v49+s2+$0x0], $0xffff  }
0x66: {  	v50 =	vor.u32 $0x3, v46;
	v52 =	vor.u32 $0x1, v18;
	vm2 =	vmor vm2, vm13;
	v58 =	vld.idx.msk [tilespmem:v48+s2+$0x0], $0xffff  }
0x67: {  	vm1 =	vmor vm1, vm15;
	vm7 =	vmor vm3, vm7;
	vm12 =	vmor vm2, vm14;
	v16 =	vld.idx.msk [tilespmem:v16+s2+$0x0], $0xffff  }
0x68: {  	vm1 =	vmor vm1, vm0;
	vm4 =	vmor vm7, vm4;
	v5 =	vadd.f32 v12, v5;
	v62 =	vld.idx.msk [tilespmem:v57+s2+$0x0], $0xffff  }
0x69: {  	v12 =	vor.u32 v1, v41;
	vm1 =	vmor vm1, vm10;
	vm10 =	vmor vm12, vm9;
	v36 =	vld.idx.msk [tilespmem:v59+s2+$0x0], $0xffff  }
0x6a: {  	v43 =	vsel vm4, $0x3F000000, v2;
	v45 =	vor.u32 $0x1, v12;
	v38 =	vsel vm1, $0x3F000000, v2;
	v37 =	vld.idx.msk [tilespmem:v29+s2+$0x0], $0xffff  }
0x6b: {  	v5 =	vadd.f32 v17, v5;
	v14 =	vshll.u32 v44, $0x3;
	v18 =	vor.u32 $0x2, v18;
	v25 =	vld.idx.msk [tilespmem:v52+s2+$0x0], $0xffff  }
0x6c: {  	v9 =	vshll.u32 v9, $0x3;
	v6 =	vmul.f32 v38, v6;
	v44 =	vsel vm10, $0x3F000000, v2;
	v47 =	vld.idx.msk [tilespmem:v50+s2+$0x0], $0xffff  }
0x6d: {  	v46 =	vmul.f32 v43, v22;
	v30 =	vor.u32 $0x1, v14;
	v31 =	vor.u32 $0x2, v14;
	v48 =	vld.idx.msk [tilespmem:v53+s2+$0x0], $0xffff  }
0x6e: {  	v61 =	vor.u32 $0x3, v14;
	v63 =	vor.u32 $0x1, v9;
	v33 =	vor.u32 $0x3, v9;
	v54 =	vld.idx.msk [tilespmem:v54+s2+$0x0], $0xffff  }
0x6f: {  	v34 =	vor.u32 $0x4, v9;
	v49 =	vor.u32 $0x2, v12;
	v52 =	vor.u32 $0x3, v12;
	v50 =	vld.idx.msk [tilespmem:v12+s8+$0x0], $0xffff  }
0x70: {  	v5 =	vadd.f32 v6, v5;
	vm11 =	veq.s32 v55, v4;
	v32 =	vld.idx.msk [tilespmem:v14+s2+$0x0], $0xffff;
	v14 =	vor.u32 $0x4, v14  }
0x71: {  	vm15 =	veq.s32 v60, v4;
	vm0 =	veq.s32 v15, v4;
	v3 =	vld.idx.msk [tilespmem:v9+s2+$0x0], $0xffff;
	v9 =	vor.u32 $0x2, v9  }
0x72: {  	v42 =	vld.idx.msk [tilespmem:v18+s2+$0x0], $0xffff;
	v18 =	vmul.f32 v44, v19;
	vm13 =	veq.s32 v58, v4;
	vm4 =	veq.s32 v16, v4  }
0x73: {  	v35 =	vld.idx.msk [tilespmem:v30+s2+$0x0], $0xffff;
	vm1 =	veq.s32 v36, v4;
	vm5 =	veq.s32 v62, v4;
	vm7 =	veq.s32 v37, v4  }
0x74: {  	v40 =	vld.idx.msk [tilespmem:v33+s2+$0x0], $0xffff;
	vm14 =	vmor vm11, vm13;
	vm11 =	veq.s32 v56, v4;
	v5 =	vadd.f32 v18, v5  }
0x75: {  	v23 =	vld.idx.msk [tilespmem:v63+s2+$0x0], $0xffff;
	vm13 =	veq.s32 v25, v4;
	vm6 =	vmor vm14, vm11;
	vm14 =	veq.s32 v47, v4  }
0x76: {  	v53 =	vld.idx.msk [tilespmem:v31+s2+$0x0], $0xffff;
	vm2 =	vmor vm15, vm13;
	vm15 =	veq.s32 v48, v4;
	v5 =	vadd.f32 v46, v5  }
0x77: {  	v55 =	vld.idx.msk [tilespmem:v61+s2+$0x0], $0xffff;
	vm6 =	vmor vm6, vm14;
	vm0 =	vmor vm0, vm15;
	vm15 =	veq.s32 v54, v4  }
0x78: {  	v56 =	vld.idx.msk [tilespmem:v28+s2+$0x0], $0xffff;
	vm12 =	veq.s32 v42, v4;
	vm10 =	veq.s32 v3, v4;
	v3 =	vor.u32 $0x4, v12  }
0x79: {  	vm8 =	veq.s32 v32, v4;
	vm4 =	vmor vm6, vm4;
	vm0 =	vmor vm0, vm15  }
0x7a: {  	v9 =	vld.idx.msk [tilespmem:v9+s2+$0x0], $0xffff;
	vm3 =	veq.s32 v40, v4;
	vm2 =	vmor vm2, vm12;
	vm12 =	veq.s32 v23, v4  }
0x7b: {  	v51 =	vld.idx.msk [tilespmem:v45+s8+$0x0], $0xffff;
	vm13 =	veq.s32 v35, v4;
	v58 =	vsel vm4, $0x3F000000, v2;
	vm14 =	veq.s32 v53, v4  }
0x7c: {  	v14 =	vld.idx.msk [tilespmem:v14+s2+$0x0], $0xffff;
	vm9 =	veq.s32 v55, v4;
	vm0 =	vmor vm0, vm1;
	vm2 =	vmor vm2, vm5  }
0x7d: {  	v11 =	vld.idx.msk [tilespmem:v49+s8+$0x0], $0xffff;
	vm6 =	vmor vm10, vm12;
	v8 =	vmul.f32 v58, v50;
	vm10 =	veq.s32 v56, v4  }
0x7e: {  	v59 =	vld.idx.msk [tilespmem:v34+s2+$0x0], $0xffff;
	vm2 =	vmor vm2, vm7;
	vm7 =	vmor vm8, vm13;
	vm0 =	vmor vm0, vm10  }
0x7f: {  	v60 =	vld.idx.msk [tilespmem:v52+s8+$0x0], $0xffff;
	v57 =	vsel vm2, $0x3F000000, v2;
	v5 =	vadd.f32 v8, v5;
	vm11 =	veq.s32 v9, v4  }
0x80: {  	v6 =	vmul.f32 v57, v51;
	vm2 =	vmor vm6, vm11;
	vm11 =	vmor vm7, vm14  }
0x81: {  	v61 =	vsel vm0, $0x3F000000, v2;
	v3 =	vld.idx.msk [tilespmem:v3+s8+$0x0], $0xffff;
	vm12 =	veq.s32 v14, v4;
	vm1 =	vmor vm11, vm9  }
0x82: {  	v8 =	vmul.f32 v61, v11;
	v5 =	vadd.f32 v6, v5;
	vm13 =	vmor vm1, vm12  }
0x83: {  	vm14 =	veq.s32 v59, v4;
	vm2 =	vmor vm2, vm3;
	v62 =	vsel vm13, $0x3F000000, v2  }
0x84: {  	vm15 =	vmor vm2, vm14;
	v5 =	vadd.f32 v8, v5;
	v4 =	vmul.f32 v62, v60  }
0x85: {  	v63 =	vsel vm15, $0x3F000000, v2  }
0x86: {  	v3 =	vmul.f32 v63, v3;
	v4 =	vadd.f32 v4, v5;
	_ =	sdelay $0x1  }
0x87: {  	s10 =	sadd.s32 $0x1, s10;
	v3 =	vadd.f32 v3, v4  }
0x88: {  	p0 =	sne.s32 s10, s6  }
.Ltmp1:
0x89: {  	[tilespmem:$0x8400] =	vst v3;
	(pc) =	sbr.rel @p0 .LBB2_1-.Ltmp1, $4  }
0x8a: {  	[hbm4b:s5+s2] =	stream.linear.scatter [tilespmem:s9], [sflag:$0x1], $0x10, $0x38;
	[tilespmem:$0x8480] =	vst v63  }
0x8b: {  	_ =	swait.ge [sflag:s7], $0x10  }
0x8c: {  	[sflag:s7] =	ssyncset.done $0x0  }
0x8d: {  	[sflag:s7] =	ssyncadd.s32 $0xFFFFFFF0  }
0x8e: {  	_ =	sfence.sel $0x180000  }
0x8f: {  	[bflag:$0x0] =	sbarrier.arrive $0xFFFF  }
0x90: {  	p0 =	sne.s32 s1, $0x0;
	_ =	strace $0x90000047  }
0x91: {  	s0 =	sadd.s32 @!p0 $0x100000, s0;
	[bflag:$0x2] =	sbarrier.arrive $0xFFFF  }
0x92: {  	[sflag:s0] =	ssyncadd.tile.s32 @!p0 $0x1;
	_ =	shalt  }
.Lfunc_end2:
_tile_overlayer_lowered:
.L_overlay_start_2:
0x93: {  	(tag) =	ssettag $0x2  }
0x94: {  	s0 =	rddreg [dreg:$0x0];
	s2 =	stileid.u32  }
0x95: {  	s1 =	rddreg [dreg:$0x1];
	p0 =	sne.s32 s2, $0x0  }
0x96: {  	s3 =	rddreg [dreg:$0x2];
	[bflag:$0x3] =	sbarrier.arrive $0xFFFF;
	s2 =	simm.s32 @!p0 $0x1C01  }
0x97: {  	[timem:s3], [sflag:s2] =	dma.local @!p0 [hbm:s0], s1  }
0x98: {  	s0 =	simm.s32 @!p0 $0x1  }
0x99: {  	_ =	swait.ge @!p0 [sflag:s0], s1  }
0x9a: {  	s1 =	ssub.s32 @!p0 $0x0, s1;
	[sflag:s0] =	ssyncset.done @!p0 $0x0  }
0x9b: {  	[sflag:s0] =	ssyncadd.s32 @!p0 s1  }
0x9c: {  	[bflag:$0x3] =	sbarrier.arrive $0xFFFF  }
0x9d: {  	_ =	shalt  }

</sc_bundles>
